<compile_context>
chip_gen: v7x
topology: tpu7x:2x2x1
jax: 0.10.2.dev20260603
libtpu: 0.0.44.dev20260713+nightly
codegen_flags: <defaults>
</compile_context>

<pallas_src>
import functools

import jax
import jax.numpy as jnp
from jax import lax
from jax.experimental import pallas as pl
from jax.experimental.pallas import tpu as pltpu
from jax.experimental.pallas import tpu_sc as plsc

T_MAX = 4096
D_MODEL = 64
V_ROWS = 100000

TC_ROWS = 40000
SC_BASE = TC_ROWS
TC_BLOCK = 2000

NUM_CORES = 2
NUM_SUBCORES = 16
NW = NUM_CORES * NUM_SUBCORES
CHUNK = 200
NBUF = 4
NCHUNKS = (V_ROWS - SC_BASE) // CHUNK
UNIFORM = NCHUNKS // NW
TAIL_W = NCHUNKS - UNIFORM * NW
KMAX = UNIFORM + 1
PE_W = T_MAX // NW


def _build_kernel():
    mesh = plsc.VectorSubcoreMesh(
        core_axis_name="c", subcore_axis_name="s",
        num_cores=NUM_CORES, num_subcores=NUM_SUBCORES)

    @functools.partial(
        pl.kernel,
        mesh=mesh,
        out_type=(
            jax.ShapeDtypeStruct((T_MAX, D_MODEL), jnp.float32),
            jax.ShapeDtypeStruct((V_ROWS, D_MODEL), jnp.float32),
        ),
        scratch_types=[
            pltpu.VMEM((NBUF, CHUNK, D_MODEL), jnp.float32),
            pltpu.VMEM((PE_W, D_MODEL), jnp.float32),
        ] + [pltpu.SemaphoreType.DMA] * (2 * NBUF + 1),
    )
    def enc(pe_hbm, tab_hbm, pe_out, spat_out, bufs, pe_v, *sems):
        wid = lax.axis_index("s") * NUM_CORES + lax.axis_index("c")
        rsems = sems[:NBUF]
        wsems = sems[NBUF:2 * NBUF]
        psem = sems[2 * NBUF]

        pe_lo = wid * PE_W
        pe_rd = pltpu.make_async_copy(
            pe_hbm.at[pl.ds(pe_lo, PE_W), :], pe_v, psem)
        pe_wr = pltpu.make_async_copy(
            pe_v, pe_out.at[pl.ds(pe_lo, PE_W), :], psem)
        pe_rd.start()

        def _guard(k, fn):
            if k < UNIFORM:
                fn()
            else:
                pl.when(wid < TAIL_W)(fn)

        rdesc, wdesc = {}, {}
        for k in range(KMAX):
            if k < UNIFORM:
                c = wid + k * NW
            else:
                c = jnp.minimum(UNIFORM * NW + wid, NCHUNKS - 1)
            lo = pl.multiple_of(SC_BASE + c * CHUNK, 8)
            src = tab_hbm.at[pl.ds(lo, CHUNK), :]
            dst = spat_out.at[pl.ds(lo, CHUNK), :]
            rdesc[k] = pltpu.make_async_copy(src, bufs.at[k % NBUF],
                                             rsems[k % NBUF])
            wdesc[k] = pltpu.make_async_copy(bufs.at[k % NBUF], dst,
                                             wsems[k % NBUF])

        for j in range(min(NBUF - 1, KMAX)):
            _guard(j, rdesc[j].start)
        for k in range(KMAX):
            _guard(k, rdesc[k].wait)
            _guard(k, wdesc[k].start)
            if k >= 1:
                _guard(k - 1, wdesc[k - 1].wait)
            j = k + NBUF - 1
            if j < KMAX:
                _guard(j, rdesc[j].start)
        pe_rd.wait()
        pe_wr.start()
        _guard(KMAX - 1, wdesc[KMAX - 1].wait)
        pe_wr.wait()

    return enc


def _tc_head_copy(tab_blk, out_blk):
    out_blk[...] = tab_blk[...]


_ENC = None
_TC_COPY = None


def kernel(pos_encoding, spatial_table, T, V):
    global _ENC, _TC_COPY
    if _ENC is None:
        _ENC = _build_kernel()
        _TC_COPY = pl.pallas_call(
            _tc_head_copy,
            grid=(TC_ROWS // TC_BLOCK,),
            in_specs=[pl.BlockSpec((TC_BLOCK, D_MODEL), lambda i: (i, 0))],
            out_specs=pl.BlockSpec((TC_BLOCK, D_MODEL), lambda i: (i, 0)),
            out_shape=jax.ShapeDtypeStruct((TC_ROWS, D_MODEL), jnp.float32),
        )
    head = _TC_COPY(spatial_table)
    temporal, spatial_sc = _ENC(pos_encoding, spatial_table)
    spatial = jax.lax.dynamic_update_slice(spatial_sc, head, (0, 0))
    return temporal, spatial

# --- scband reference (transcript-rebuilt; emitter-appended) ---
"""Pipeline reference for scband-input-encoding-88587995447665 (READ-ONLY COPY).

The authoritative reference and input builder live on the scoring server;
editing this copy changes nothing except your own understanding.
"""

import jax, jax.numpy as jnp
import numpy as np

NUM_NODE = 100000
D_MODEL = 64
T_MAX = 4096

def setup_inputs(seed: int = 0) -> dict:
    key = jax.random.key(seed)
    # Sinusoidal positional encoding buffer, identical to the torch __init__
    position = np.arange(0, T_MAX, dtype=np.float32)[:, None]
    div_term = np.exp(np.arange(0, D_MODEL, 2, dtype=np.float32) * (-np.log(10000.0) / D_MODEL))
    pe = np.zeros((T_MAX, D_MODEL), dtype=np.float32)
    pe[:, 0::2] = np.sin(position * div_term)
    pe[:, 1::2] = np.cos(position * div_term)
    # Learned spatial embedding table (nn.Embedding weight)
    spatial_table = jax.random.normal(key, (NUM_NODE, D_MODEL), dtype=jnp.float32)
    return {
        "pos_encoding": jnp.asarray(pe),
        "spatial_table": spatial_table,
        "T": 4096,
        "V": 100000,
    }

def reference(pos_encoding, spatial_table, T, V):
    # temporal_encoding(T): slice of the precomputed sinusoidal buffer
    T_static = pos_encoding.shape[0]
    temporal = jax.lax.dynamic_slice_in_dim(pos_encoding, T - T_static, T_static, axis=0)
    # spatial_encoding(V): embedding lookup over arange(V) -> SparseCore gather
    V_static = spatial_table.shape[0]
    node_idx = jnp.arange(V_static, dtype=jnp.int32) + jnp.asarray(V - V_static, dtype=jnp.int32)
    spatial = jnp.take(spatial_table, node_idx, axis=0)
    return (temporal, spatial)

if __name__ == "__main__":
    import jax
    _d = setup_inputs()
    print(jax.jit(kernel)(*tuple(_d.values())))

</pallas_src>

<mosaic_0001>
#map = affine_map<(d0, d1) -> (0, 0)>
module attributes {stable_mosaic.version = 14 : i64} {
  func.func @enc(%arg0: i32, %arg1: i32, %arg2: memref<4096x64xf32, #tpu.memory_space<hbm>>, %arg3: memref<100000x64xf32, #tpu.memory_space<hbm>>, %arg4: memref<4096x64xf32, #tpu.memory_space<hbm>>, %arg5: memref<100000x64xf32, #tpu.memory_space<hbm>>, %arg6: memref<4x200x64xf32, #tpu.memory_space<vmem>>, %arg7: memref<128x64xf32, #tpu.memory_space<vmem>>, %arg8: memref<!tpu.dma_semaphore, #tpu.memory_space<semaphore_mem>>, %arg9: memref<!tpu.dma_semaphore, #tpu.memory_space<semaphore_mem>>, %arg10: memref<!tpu.dma_semaphore, #tpu.memory_space<semaphore_mem>>, %arg11: memref<!tpu.dma_semaphore, #tpu.memory_space<semaphore_mem>>, %arg12: memref<!tpu.dma_semaphore, #tpu.memory_space<semaphore_mem>>, %arg13: memref<!tpu.dma_semaphore, #tpu.memory_space<semaphore_mem>>, %arg14: memref<!tpu.dma_semaphore, #tpu.memory_space<semaphore_mem>>, %arg15: memref<!tpu.dma_semaphore, #tpu.memory_space<semaphore_mem>>, %arg16: memref<!tpu.dma_semaphore, #tpu.memory_space<semaphore_mem>>) attributes {dimension_semantics = [#tpu.dimension_semantics<core_parallel>, #tpu.dimension_semantics<subcore_parallel>], iteration_bounds = array<i64: 2, 16>, scalar_prefetch = 0 : i64, scratch_operands = 11 : i64, tpu.core_type = #tpu.core_type<sc_vector_subcore>, window_params = [{transform_indices = #map}, {transform_indices = #map}, {transform_indices = #map}, {transform_indices = #map}]} {
    %mul3A = arith.constant 2 : i32
    %mul3A_0 = arith.muli %arg1, %mul3A : i32
    %add3A = arith.addi %mul3A_0, %arg0 : i32
    %mul3A_1 = arith.constant 128 : i32
    %mul3A_2 = arith.muli %add3A, %mul3A_1 : i32
    %dma_start3A = arith.constant 0 : i32
    %dma_start3A_3 = tpu.memref_slice %arg2[%mul3A_2, %dma_start3A] : memref<4096x64xf32, #tpu.memory_space<hbm>> -> memref<128x64xf32, #tpu.memory_space<hbm>>
    %dma_start3A_4 = arith.constant 0 : i32
    %dma_start3A_5 = tpu.memref_slice %arg2[%mul3A_2, %dma_start3A_4] : memref<4096x64xf32, #tpu.memory_space<hbm>> -> memref<128x64xf32, #tpu.memory_space<hbm>>
    tpu.enqueue_dma source(%dma_start3A_5 : memref<128x64xf32, #tpu.memory_space<hbm>>) target(%arg7 : memref<128x64xf32, #tpu.memory_space<vmem>>) target_semaphore(%arg16 : memref<!tpu.dma_semaphore, #tpu.memory_space<semaphore_mem>>)
    %add3A_6 = arith.constant 0 : i32
    %add3A_7 = arith.addi %add3A, %add3A_6 : i32
    %mul3A_8 = arith.constant 200 : i32
    %mul3A_9 = arith.muli %add3A_7, %mul3A_8 : i32
    %add3A_10 = arith.constant 40000 : i32
    %add3A_11 = arith.addi %add3A_10, %mul3A_9 : i32
    %multiple_of3A = tpu.assume_multiple %add3A_11, 8 : i32
    %add3A_12 = arith.constant 32 : i32
    %add3A_13 = arith.addi %add3A, %add3A_12 : i32
    %mul3A_14 = arith.constant 200 : i32
    %mul3A_15 = arith.muli %add3A_13, %mul3A_14 : i32
    %add3A_16 = arith.constant 40000 : i32
    %add3A_17 = arith.addi %add3A_16, %mul3A_15 : i32
    %multiple_of3A_18 = tpu.assume_multiple %add3A_17, 8 : i32
    %add3A_19 = arith.constant 64 : i32
    %add3A_20 = arith.addi %add3A, %add3A_19 : i32
    %mul3A_21 = arith.constant 200 : i32
    %mul3A_22 = arith.muli %add3A_20, %mul3A_21 : i32
    %add3A_23 = arith.constant 40000 : i32
    %add3A_24 = arith.addi %add3A_23, %mul3A_22 : i32
    %multiple_of3A_25 = tpu.assume_multiple %add3A_24, 8 : i32
    %add3A_26 = arith.constant 96 : i32
    %add3A_27 = arith.addi %add3A, %add3A_26 : i32
    %mul3A_28 = arith.constant 200 : i32
    %mul3A_29 = arith.muli %add3A_27, %mul3A_28 : i32
    %add3A_30 = arith.constant 40000 : i32
    %add3A_31 = arith.addi %add3A_30, %mul3A_29 : i32
    %multiple_of3A_32 = tpu.assume_multiple %add3A_31, 8 : i32
    %add3A_33 = arith.constant 128 : i32
    %add3A_34 = arith.addi %add3A, %add3A_33 : i32
    %mul3A_35 = arith.constant 200 : i32
    %mul3A_36 = arith.muli %add3A_34, %mul3A_35 : i32
    %add3A_37 = arith.constant 40000 : i32
    %add3A_38 = arith.addi %add3A_37, %mul3A_36 : i32
    %multiple_of3A_39 = tpu.assume_multiple %add3A_38, 8 : i32
    %add3A_40 = arith.constant 160 : i32
    %add3A_41 = arith.addi %add3A, %add3A_40 : i32
    %mul3A_42 = arith.constant 200 : i32
    %mul3A_43 = arith.muli %add3A_41, %mul3A_42 : i32
    %add3A_44 = arith.constant 40000 : i32
    %add3A_45 = arith.addi %add3A_44, %mul3A_43 : i32
    %multiple_of3A_46 = tpu.assume_multiple %add3A_45, 8 : i32
    %add3A_47 = arith.constant 192 : i32
    %add3A_48 = arith.addi %add3A, %add3A_47 : i32
    %mul3A_49 = arith.constant 200 : i32
    %mul3A_50 = arith.muli %add3A_48, %mul3A_49 : i32
    %add3A_51 = arith.constant 40000 : i32
    %add3A_52 = arith.addi %add3A_51, %mul3A_50 : i32
    %multiple_of3A_53 = tpu.assume_multiple %add3A_52, 8 : i32
    %add3A_54 = arith.constant 224 : i32
    %add3A_55 = arith.addi %add3A, %add3A_54 : i32
    %mul3A_56 = arith.constant 200 : i32
    %mul3A_57 = arith.muli %add3A_55, %mul3A_56 : i32
    %add3A_58 = arith.constant 40000 : i32
    %add3A_59 = arith.addi %add3A_58, %mul3A_57 : i32
    %multiple_of3A_60 = tpu.assume_multiple %add3A_59, 8 : i32
    %add3A_61 = arith.constant 256 : i32
    %add3A_62 = arith.addi %add3A, %add3A_61 : i32
    %mul3A_63 = arith.constant 200 : i32
    %mul3A_64 = arith.muli %add3A_62, %mul3A_63 : i32
    %add3A_65 = arith.constant 40000 : i32
    %add3A_66 = arith.addi %add3A_65, %mul3A_64 : i32
    %multiple_of3A_67 = tpu.assume_multiple %add3A_66, 8 : i32
    %add3A_68 = arith.constant 288 : i32
    %add3A_69 = arith.addi %add3A_68, %add3A : i32
    %min3A = arith.constant 299 : i32
    %min3A_70 = arith.minsi %add3A_69, %min3A : i32
    %mul3A_71 = arith.constant 200 : i32
    %mul3A_72 = arith.muli %min3A_70, %mul3A_71 : i32
    %add3A_73 = arith.constant 40000 : i32
    %add3A_74 = arith.addi %add3A_73, %mul3A_72 : i32
    %multiple_of3A_75 = tpu.assume_multiple %add3A_74, 8 : i32
    %dma_start3A_76 = arith.constant 0 : i32
    %dma_start3A_77 = arith.constant 0 : i32
    %dma_start3A_78 = arith.constant 0 : i32
    %dma_start3A_79 = tpu.memref_slice %arg6[%dma_start3A_76, %dma_start3A_77, %dma_start3A_78] : memref<4x200x64xf32, #tpu.memory_space<vmem>> -> memref<1x200x64xf32, #tpu.memory_space<vmem>>
    %dma_start3A_80 = tpu.memref_squeeze %dma_start3A_79 : memref<1x200x64xf32, #tpu.memory_space<vmem>> -> memref<200x64xf32, #tpu.memory_space<vmem>>
    %dma_start3A_81 = arith.constant 0 : i32
    %dma_start3A_82 = tpu.memref_slice %arg3[%multiple_of3A, %dma_start3A_81] : memref<100000x64xf32, #tpu.memory_space<hbm>> -> memref<200x64xf32, #tpu.memory_space<hbm>>
    %dma_start3A_83 = arith.constant 0 : i32
    %dma_start3A_84 = arith.constant 0 : i32
    %dma_start3A_85 = tpu.memref_slice %arg6[%dma_start3A_76, %dma_start3A_83, %dma_start3A_84] : memref<4x200x64xf32, #tpu.memory_space<vmem>> -> memref<1x200x64xf32, #tpu.memory_space<vmem>>
    %dma_start3A_86 = tpu.memref_squeeze %dma_start3A_85 : memref<1x200x64xf32, #tpu.memory_space<vmem>> -> memref<200x64xf32, #tpu.memory_space<vmem>>
    %dma_start3A_87 = arith.constant 0 : i32
    %dma_start3A_88 = tpu.memref_slice %arg3[%multiple_of3A, %dma_start3A_87] : memref<100000x64xf32, #tpu.memory_space<hbm>> -> memref<200x64xf32, #tpu.memory_space<hbm>>
    tpu.enqueue_dma source(%dma_start3A_88 : memref<200x64xf32, #tpu.memory_space<hbm>>) target(%dma_start3A_86 : memref<200x64xf32, #tpu.memory_space<vmem>>) target_semaphore(%arg8 : memref<!tpu.dma_semaphore, #tpu.memory_space<semaphore_mem>>)
    %dma_start3A_89 = arith.constant 1 : i32
    %dma_start3A_90 = arith.constant 0 : i32
    %dma_start3A_91 = arith.constant 0 : i32
    %dma_start3A_92 = tpu.memref_slice %arg6[%dma_start3A_89, %dma_start3A_90, %dma_start3A_91] : memref<4x200x64xf32, #tpu.memory_space<vmem>> -> memref<1x200x64xf32, #tpu.memory_space<vmem>>
    %dma_start3A_93 = tpu.memref_squeeze %dma_start3A_92 : memref<1x200x64xf32, #tpu.memory_space<vmem>> -> memref<200x64xf32, #tpu.memory_space<vmem>>
    %dma_start3A_94 = arith.constant 0 : i32
    %dma_start3A_95 = tpu.memref_slice %arg3[%multiple_of3A_18, %dma_start3A_94] : memref<100000x64xf32, #tpu.memory_space<hbm>> -> memref<200x64xf32, #tpu.memory_space<hbm>>
    %dma_start3A_96 = arith.constant 0 : i32
    %dma_start3A_97 = arith.constant 0 : i32
    %dma_start3A_98 = tpu.memref_slice %arg6[%dma_start3A_89, %dma_start3A_96, %dma_start3A_97] : memref<4x200x64xf32, #tpu.memory_space<vmem>> -> memref<1x200x64xf32, #tpu.memory_space<vmem>>
    %dma_start3A_99 = tpu.memref_squeeze %dma_start3A_98 : memref<1x200x64xf32, #tpu.memory_space<vmem>> -> memref<200x64xf32, #tpu.memory_space<vmem>>
    %dma_start3A_100 = arith.constant 0 : i32
    %dma_start3A_101 = tpu.memref_slice %arg3[%multiple_of3A_18, %dma_start3A_100] : memref<100000x64xf32, #tpu.memory_space<hbm>> -> memref<200x64xf32, #tpu.memory_space<hbm>>
    tpu.enqueue_dma source(%dma_start3A_101 : memref<200x64xf32, #tpu.memory_space<hbm>>) target(%dma_start3A_99 : memref<200x64xf32, #tpu.memory_space<vmem>>) target_semaphore(%arg9 : memref<!tpu.dma_semaphore, #tpu.memory_space<semaphore_mem>>)
    %dma_start3A_102 = arith.constant 2 : i32
    %dma_start3A_103 = arith.constant 0 : i32
    %dma_start3A_104 = arith.constant 0 : i32
    %dma_start3A_105 = tpu.memref_slice %arg6[%dma_start3A_102, %dma_start3A_103, %dma_start3A_104] : memref<4x200x64xf32, #tpu.memory_space<vmem>> -> memref<1x200x64xf32, #tpu.memory_space<vmem>>
    %dma_start3A_106 = tpu.memref_squeeze %dma_start3A_105 : memref<1x200x64xf32, #tpu.memory_space<vmem>> -> memref<200x64xf32, #tpu.memory_space<vmem>>
    %dma_start3A_107 = arith.constant 0 : i32
    %dma_start3A_108 = tpu.memref_slice %arg3[%multiple_of3A_25, %dma_start3A_107] : memref<100000x64xf32, #tpu.memory_space<hbm>> -> memref<200x64xf32, #tpu.memory_space<hbm>>
    %dma_start3A_109 = arith.constant 0 : i32
    %dma_start3A_110 = arith.constant 0 : i32
    %dma_start3A_111 = tpu.memref_slice %arg6[%dma_start3A_102, %dma_start3A_109, %dma_start3A_110] : memref<4x200x64xf32, #tpu.memory_space<vmem>> -> memref<1x200x64xf32, #tpu.memory_space<vmem>>
    %dma_start3A_112 = tpu.memref_squeeze %dma_start3A_111 : memref<1x200x64xf32, #tpu.memory_space<vmem>> -> memref<200x64xf32, #tpu.memory_space<vmem>>
    %dma_start3A_113 = arith.constant 0 : i32
    %dma_start3A_114 = tpu.memref_slice %arg3[%multiple_of3A_25, %dma_start3A_113] : memref<100000x64xf32, #tpu.memory_space<hbm>> -> memref<200x64xf32, #tpu.memory_space<hbm>>
    tpu.enqueue_dma source(%dma_start3A_114 : memref<200x64xf32, #tpu.memory_space<hbm>>) target(%dma_start3A_112 : memref<200x64xf32, #tpu.memory_space<vmem>>) target_semaphore(%arg10 : memref<!tpu.dma_semaphore, #tpu.memory_space<semaphore_mem>>)
    %dma_wait3A = arith.constant 0 : i32
    %dma_wait3A_115 = arith.constant 0 : i32
    %dma_wait3A_116 = arith.constant 0 : i32
    %dma_wait3A_117 = tpu.memref_slice %arg6[%dma_wait3A, %dma_wait3A_115, %dma_wait3A_116] : memref<4x200x64xf32, #tpu.memory_space<vmem>> -> memref<1x200x64xf32, #tpu.memory_space<vmem>>
    %dma_wait3A_118 = tpu.memref_squeeze %dma_wait3A_117 : memref<1x200x64xf32, #tpu.memory_space<vmem>> -> memref<200x64xf32, #tpu.memory_space<vmem>>
    %dma_wait3A_119 = arith.constant 0 : i32
    %dma_wait3A_120 = tpu.memref_slice %arg3[%multiple_of3A, %dma_wait3A_119] : memref<100000x64xf32, #tpu.memory_space<hbm>> -> memref<200x64xf32, #tpu.memory_space<hbm>>
    %dma_wait3A_121 = arith.constant 0 : i32
    %dma_wait3A_122 = arith.constant 0 : i32
    %dma_wait3A_123 = tpu.memref_slice %arg6[%dma_wait3A, %dma_wait3A_121, %dma_wait3A_122] : memref<4x200x64xf32, #tpu.memory_space<vmem>> -> memref<1x200x64xf32, #tpu.memory_space<vmem>>
    %dma_wait3A_124 = tpu.memref_squeeze %dma_wait3A_123 : memref<1x200x64xf32, #tpu.memory_space<vmem>> -> memref<200x64xf32, #tpu.memory_space<vmem>>
    %dma_wait3A_125 = arith.constant 0 : i32
    %dma_wait3A_126 = tpu.memref_slice %arg3[%multiple_of3A, %dma_wait3A_125] : memref<100000x64xf32, #tpu.memory_space<hbm>> -> memref<200x64xf32, #tpu.memory_space<hbm>>
    tpu.wait_dma2 semaphore(%arg8 : memref<!tpu.dma_semaphore, #tpu.memory_space<semaphore_mem>>) src(%dma_wait3A_126 : memref<200x64xf32, #tpu.memory_space<hbm>>) dst(%dma_wait3A_124 : memref<200x64xf32, #tpu.memory_space<vmem>>)
    %dma_start3A_127 = arith.constant 0 : i32
    %dma_start3A_128 = arith.constant 0 : i32
    %dma_start3A_129 = arith.constant 0 : i32
    %dma_start3A_130 = tpu.memref_slice %arg6[%dma_start3A_127, %dma_start3A_128, %dma_start3A_129] : memref<4x200x64xf32, #tpu.memory_space<vmem>> -> memref<1x200x64xf32, #tpu.memory_space<vmem>>
    %dma_start3A_131 = tpu.memref_squeeze %dma_start3A_130 : memref<1x200x64xf32, #tpu.memory_space<vmem>> -> memref<200x64xf32, #tpu.memory_space<vmem>>
    %dma_start3A_132 = arith.constant 0 : i32
    %dma_start3A_133 = tpu.memref_slice %arg5[%multiple_of3A, %dma_start3A_132] : memref<100000x64xf32, #tpu.memory_space<hbm>> -> memref<200x64xf32, #tpu.memory_space<hbm>>
    %dma_start3A_134 = arith.constant 0 : i32
    %dma_start3A_135 = tpu.memref_slice %arg5[%multiple_of3A, %dma_start3A_134] : memref<100000x64xf32, #tpu.memory_space<hbm>> -> memref<200x64xf32, #tpu.memory_space<hbm>>
    %dma_start3A_136 = arith.constant 0 : i32
    %dma_start3A_137 = arith.constant 0 : i32
    %dma_start3A_138 = tpu.memref_slice %arg6[%dma_start3A_127, %dma_start3A_136, %dma_start3A_137] : memref<4x200x64xf32, #tpu.memory_space<vmem>> -> memref<1x200x64xf32, #tpu.memory_space<vmem>>
    %dma_start3A_139 = tpu.memref_squeeze %dma_start3A_138 : memref<1x200x64xf32, #tpu.memory_space<vmem>> -> memref<200x64xf32, #tpu.memory_space<vmem>>
    tpu.enqueue_dma source(%dma_start3A_139 : memref<200x64xf32, #tpu.memory_space<vmem>>) target(%dma_start3A_135 : memref<200x64xf32, #tpu.memory_space<hbm>>) target_semaphore(%arg12 : memref<!tpu.dma_semaphore, #tpu.memory_space<semaphore_mem>>)
    %dma_start3A_140 = arith.constant 3 : i32
    %dma_start3A_141 = arith.constant 0 : i32
    %dma_start3A_142 = arith.constant 0 : i32
    %dma_start3A_143 = tpu.memref_slice %arg6[%dma_start3A_140, %dma_start3A_141, %dma_start3A_142] : memref<4x200x64xf32, #tpu.memory_space<vmem>> -> memref<1x200x64xf32, #tpu.memory_space<vmem>>
    %dma_start3A_144 = tpu.memref_squeeze %dma_start3A_143 : memref<1x200x64xf32, #tpu.memory_space<vmem>> -> memref<200x64xf32, #tpu.memory_space<vmem>>
    %dma_start3A_145 = arith.constant 0 : i32
    %dma_start3A_146 = tpu.memref_slice %arg3[%multiple_of3A_32, %dma_start3A_145] : memref<100000x64xf32, #tpu.memory_space<hbm>> -> memref<200x64xf32, #tpu.memory_space<hbm>>
    %dma_start3A_147 = arith.constant 0 : i32
    %dma_start3A_148 = arith.constant 0 : i32
    %dma_start3A_149 = tpu.memref_slice %arg6[%dma_start3A_140, %dma_start3A_147, %dma_start3A_148] : memref<4x200x64xf32, #tpu.memory_space<vmem>> -> memref<1x200x64xf32, #tpu.memory_space<vmem>>
    %dma_start3A_150 = tpu.memref_squeeze %dma_start3A_149 : memref<1x200x64xf32, #tpu.memory_space<vmem>> -> memref<200x64xf32, #tpu.memory_space<vmem>>
    %dma_start3A_151 = arith.constant 0 : i32
    %dma_start3A_152 = tpu.memref_slice %arg3[%multiple_of3A_32, %dma_start3A_151] : memref<100000x64xf32, #tpu.memory_space<hbm>> -> memref<200x64xf32, #tpu.memory_space<hbm>>
    tpu.enqueue_dma source(%dma_start3A_152 : memref<200x64xf32, #tpu.memory_space<hbm>>) target(%dma_start3A_150 : memref<200x64xf32, #tpu.memory_space<vmem>>) target_semaphore(%arg11 : memref<!tpu.dma_semaphore, #tpu.memory_space<semaphore_mem>>)
    %dma_wait3A_153 = arith.constant 1 : i32
    %dma_wait3A_154 = arith.constant 0 : i32
    %dma_wait3A_155 = arith.constant 0 : i32
    %dma_wait3A_156 = tpu.memref_slice %arg6[%dma_wait3A_153, %dma_wait3A_154, %dma_wait3A_155] : memref<4x200x64xf32, #tpu.memory_space<vmem>> -> memref<1x200x64xf32, #tpu.memory_space<vmem>>
    %dma_wait3A_157 = tpu.memref_squeeze %dma_wait3A_156 : memref<1x200x64xf32, #tpu.memory_space<vmem>> -> memref<200x64xf32, #tpu.memory_space<vmem>>
    %dma_wait3A_158 = arith.constant 0 : i32
    %dma_wait3A_159 = tpu.memref_slice %arg3[%multiple_of3A_18, %dma_wait3A_158] : memref<100000x64xf32, #tpu.memory_space<hbm>> -> memref<200x64xf32, #tpu.memory_space<hbm>>
    %dma_wait3A_160 = arith.constant 0 : i32
    %dma_wait3A_161 = arith.constant 0 : i32
    %dma_wait3A_162 = tpu.memref_slice %arg6[%dma_wait3A_153, %dma_wait3A_160, %dma_wait3A_161] : memref<4x200x64xf32, #tpu.memory_space<vmem>> -> memref<1x200x64xf32, #tpu.memory_space<vmem>>
    %dma_wait3A_163 = tpu.memref_squeeze %dma_wait3A_162 : memref<1x200x64xf32, #tpu.memory_space<vmem>> -> memref<200x64xf32, #tpu.memory_space<vmem>>
    %dma_wait3A_164 = arith.constant 0 : i32
    %dma_wait3A_165 = tpu.memref_slice %arg3[%multiple_of3A_18, %dma_wait3A_164] : memref<100000x64xf32, #tpu.memory_space<hbm>> -> memref<200x64xf32, #tpu.memory_space<hbm>>
    tpu.wait_dma2 semaphore(%arg9 : memref<!tpu.dma_semaphore, #tpu.memory_space<semaphore_mem>>) src(%dma_wait3A_165 : memref<200x64xf32, #tpu.memory_space<hbm>>) dst(%dma_wait3A_163 : memref<200x64xf32, #tpu.memory_space<vmem>>)
    %dma_start3A_166 = arith.constant 1 : i32
    %dma_start3A_167 = arith.constant 0 : i32
    %dma_start3A_168 = arith.constant 0 : i32
    %dma_start3A_169 = tpu.memref_slice %arg6[%dma_start3A_166, %dma_start3A_167, %dma_start3A_168] : memref<4x200x64xf32, #tpu.memory_space<vmem>> -> memref<1x200x64xf32, #tpu.memory_space<vmem>>
    %dma_start3A_170 = tpu.memref_squeeze %dma_start3A_169 : memref<1x200x64xf32, #tpu.memory_space<vmem>> -> memref<200x64xf32, #tpu.memory_space<vmem>>
    %dma_start3A_171 = arith.constant 0 : i32
    %dma_start3A_172 = tpu.memref_slice %arg5[%multiple_of3A_18, %dma_start3A_171] : memref<100000x64xf32, #tpu.memory_space<hbm>> -> memref<200x64xf32, #tpu.memory_space<hbm>>
    %dma_start3A_173 = arith.constant 0 : i32
    %dma_start3A_174 = tpu.memref_slice %arg5[%multiple_of3A_18, %dma_start3A_173] : memref<100000x64xf32, #tpu.memory_space<hbm>> -> memref<200x64xf32, #tpu.memory_space<hbm>>
    %dma_start3A_175 = arith.constant 0 : i32
    %dma_start3A_176 = arith.constant 0 : i32
    %dma_start3A_177 = tpu.memref_slice %arg6[%dma_start3A_166, %dma_start3A_175, %dma_start3A_176] : memref<4x200x64xf32, #tpu.memory_space<vmem>> -> memref<1x200x64xf32, #tpu.memory_space<vmem>>
    %dma_start3A_178 = tpu.memref_squeeze %dma_start3A_177 : memref<1x200x64xf32, #tpu.memory_space<vmem>> -> memref<200x64xf32, #tpu.memory_space<vmem>>
    tpu.enqueue_dma source(%dma_start3A_178 : memref<200x64xf32, #tpu.memory_space<vmem>>) target(%dma_start3A_174 : memref<200x64xf32, #tpu.memory_space<hbm>>) target_semaphore(%arg13 : memref<!tpu.dma_semaphore, #tpu.memory_space<semaphore_mem>>)
    %dma_wait3A_179 = arith.constant 0 : i32
    %dma_wait3A_180 = arith.constant 0 : i32
    %dma_wait3A_181 = arith.constant 0 : i32
    %dma_wait3A_182 = tpu.memref_slice %arg6[%dma_wait3A_179, %dma_wait3A_180, %dma_wait3A_181] : memref<4x200x64xf32, #tpu.memory_space<vmem>> -> memref<1x200x64xf32, #tpu.memory_space<vmem>>
    %dma_wait3A_183 = tpu.memref_squeeze %dma_wait3A_182 : memref<1x200x64xf32, #tpu.memory_space<vmem>> -> memref<200x64xf32, #tpu.memory_space<vmem>>
    %dma_wait3A_184 = arith.constant 0 : i32
    %dma_wait3A_185 = tpu.memref_slice %arg5[%multiple_of3A, %dma_wait3A_184] : memref<100000x64xf32, #tpu.memory_space<hbm>> -> memref<200x64xf32, #tpu.memory_space<hbm>>
    %dma_wait3A_186 = arith.constant 0 : i32
    %dma_wait3A_187 = tpu.memref_slice %arg5[%multiple_of3A, %dma_wait3A_186] : memref<100000x64xf32, #tpu.memory_space<hbm>> -> memref<200x64xf32, #tpu.memory_space<hbm>>
    %dma_wait3A_188 = arith.constant 0 : i32
    %dma_wait3A_189 = arith.constant 0 : i32
    %dma_wait3A_190 = tpu.memref_slice %arg6[%dma_wait3A_179, %dma_wait3A_188, %dma_wait3A_189] : memref<4x200x64xf32, #tpu.memory_space<vmem>> -> memref<1x200x64xf32, #tpu.memory_space<vmem>>
    %dma_wait3A_191 = tpu.memref_squeeze %dma_wait3A_190 : memref<1x200x64xf32, #tpu.memory_space<vmem>> -> memref<200x64xf32, #tpu.memory_space<vmem>>
    tpu.wait_dma2 semaphore(%arg12 : memref<!tpu.dma_semaphore, #tpu.memory_space<semaphore_mem>>) src(%dma_wait3A_191 : memref<200x64xf32, #tpu.memory_space<vmem>>) dst(%dma_wait3A_187 : memref<200x64xf32, #tpu.memory_space<hbm>>)
    %dma_start3A_192 = arith.constant 0 : i32
    %dma_start3A_193 = arith.constant 0 : i32
    %dma_start3A_194 = arith.constant 0 : i32
    %dma_start3A_195 = tpu.memref_slice %arg6[%dma_start3A_192, %dma_start3A_193, %dma_start3A_194] : memref<4x200x64xf32, #tpu.memory_space<vmem>> -> memref<1x200x64xf32, #tpu.memory_space<vmem>>
    %dma_start3A_196 = tpu.memref_squeeze %dma_start3A_195 : memref<1x200x64xf32, #tpu.memory_space<vmem>> -> memref<200x64xf32, #tpu.memory_space<vmem>>
    %dma_start3A_197 = arith.constant 0 : i32
    %dma_start3A_198 = tpu.memref_slice %arg3[%multiple_of3A_39, %dma_start3A_197] : memref<100000x64xf32, #tpu.memory_space<hbm>> -> memref<200x64xf32, #tpu.memory_space<hbm>>
    %dma_start3A_199 = arith.constant 0 : i32
    %dma_start3A_200 = arith.constant 0 : i32
    %dma_start3A_201 = tpu.memref_slice %arg6[%dma_start3A_192, %dma_start3A_199, %dma_start3A_200] : memref<4x200x64xf32, #tpu.memory_space<vmem>> -> memref<1x200x64xf32, #tpu.memory_space<vmem>>
    %dma_start3A_202 = tpu.memref_squeeze %dma_start3A_201 : memref<1x200x64xf32, #tpu.memory_space<vmem>> -> memref<200x64xf32, #tpu.memory_space<vmem>>
    %dma_start3A_203 = arith.constant 0 : i32
    %dma_start3A_204 = tpu.memref_slice %arg3[%multiple_of3A_39, %dma_start3A_203] : memref<100000x64xf32, #tpu.memory_space<hbm>> -> memref<200x64xf32, #tpu.memory_space<hbm>>
    tpu.enqueue_dma source(%dma_start3A_204 : memref<200x64xf32, #tpu.memory_space<hbm>>) target(%dma_start3A_202 : memref<200x64xf32, #tpu.memory_space<vmem>>) target_semaphore(%arg8 : memref<!tpu.dma_semaphore, #tpu.memory_space<semaphore_mem>>)
    %dma_wait3A_205 = arith.constant 2 : i32
    %dma_wait3A_206 = arith.constant 0 : i32
    %dma_wait3A_207 = arith.constant 0 : i32
    %dma_wait3A_208 = tpu.memref_slice %arg6[%dma_wait3A_205, %dma_wait3A_206, %dma_wait3A_207] : memref<4x200x64xf32, #tpu.memory_space<vmem>> -> memref<1x200x64xf32, #tpu.memory_space<vmem>>
    %dma_wait3A_209 = tpu.memref_squeeze %dma_wait3A_208 : memref<1x200x64xf32, #tpu.memory_space<vmem>> -> memref<200x64xf32, #tpu.memory_space<vmem>>
    %dma_wait3A_210 = arith.constant 0 : i32
    %dma_wait3A_211 = tpu.memref_slice %arg3[%multiple_of3A_25, %dma_wait3A_210] : memref<100000x64xf32, #tpu.memory_space<hbm>> -> memref<200x64xf32, #tpu.memory_space<hbm>>
    %dma_wait3A_212 = arith.constant 0 : i32
    %dma_wait3A_213 = arith.constant 0 : i32
    %dma_wait3A_214 = tpu.memref_slice %arg6[%dma_wait3A_205, %dma_wait3A_212, %dma_wait3A_213] : memref<4x200x64xf32, #tpu.memory_space<vmem>> -> memref<1x200x64xf32, #tpu.memory_space<vmem>>
    %dma_wait3A_215 = tpu.memref_squeeze %dma_wait3A_214 : memref<1x200x64xf32, #tpu.memory_space<vmem>> -> memref<200x64xf32, #tpu.memory_space<vmem>>
    %dma_wait3A_216 = arith.constant 0 : i32
    %dma_wait3A_217 = tpu.memref_slice %arg3[%multiple_of3A_25, %dma_wait3A_216] : memref<100000x64xf32, #tpu.memory_space<hbm>> -> memref<200x64xf32, #tpu.memory_space<hbm>>
    tpu.wait_dma2 semaphore(%arg10 : memref<!tpu.dma_semaphore, #tpu.memory_space<semaphore_mem>>) src(%dma_wait3A_217 : memref<200x64xf32, #tpu.memory_space<hbm>>) dst(%dma_wait3A_215 : memref<200x64xf32, #tpu.memory_space<vmem>>)
    %dma_start3A_218 = arith.constant 2 : i32
    %dma_start3A_219 = arith.constant 0 : i32
    %dma_start3A_220 = arith.constant 0 : i32
    %dma_start3A_221 = tpu.memref_slice %arg6[%dma_start3A_218, %dma_start3A_219, %dma_start3A_220] : memref<4x200x64xf32, #tpu.memory_space<vmem>> -> memref<1x200x64xf32, #tpu.memory_space<vmem>>
    %dma_start3A_222 = tpu.memref_squeeze %dma_start3A_221 : memref<1x200x64xf32, #tpu.memory_space<vmem>> -> memref<200x64xf32, #tpu.memory_space<vmem>>
    %dma_start3A_223 = arith.constant 0 : i32
    %dma_start3A_224 = tpu.memref_slice %arg5[%multiple_of3A_25, %dma_start3A_223] : memref<100000x64xf32, #tpu.memory_space<hbm>> -> memref<200x64xf32, #tpu.memory_space<hbm>>
    %dma_start3A_225 = arith.constant 0 : i32
    %dma_start3A_226 = tpu.memref_slice %arg5[%multiple_of3A_25, %dma_start3A_225] : memref<100000x64xf32, #tpu.memory_space<hbm>> -> memref<200x64xf32, #tpu.memory_space<hbm>>
    %dma_start3A_227 = arith.constant 0 : i32
    %dma_start3A_228 = arith.constant 0 : i32
    %dma_start3A_229 = tpu.memref_slice %arg6[%dma_start3A_218, %dma_start3A_227, %dma_start3A_228] : memref<4x200x64xf32, #tpu.memory_space<vmem>> -> memref<1x200x64xf32, #tpu.memory_space<vmem>>
    %dma_start3A_230 = tpu.memref_squeeze %dma_start3A_229 : memref<1x200x64xf32, #tpu.memory_space<vmem>> -> memref<200x64xf32, #tpu.memory_space<vmem>>
    tpu.enqueue_dma source(%dma_start3A_230 : memref<200x64xf32, #tpu.memory_space<vmem>>) target(%dma_start3A_226 : memref<200x64xf32, #tpu.memory_space<hbm>>) target_semaphore(%arg14 : memref<!tpu.dma_semaphore, #tpu.memory_space<semaphore_mem>>)
    %dma_wait3A_231 = arith.constant 1 : i32
    %dma_wait3A_232 = arith.constant 0 : i32
    %dma_wait3A_233 = arith.constant 0 : i32
    %dma_wait3A_234 = tpu.memref_slice %arg6[%dma_wait3A_231, %dma_wait3A_232, %dma_wait3A_233] : memref<4x200x64xf32, #tpu.memory_space<vmem>> -> memref<1x200x64xf32, #tpu.memory_space<vmem>>
    %dma_wait3A_235 = tpu.memref_squeeze %dma_wait3A_234 : memref<1x200x64xf32, #tpu.memory_space<vmem>> -> memref<200x64xf32, #tpu.memory_space<vmem>>
    %dma_wait3A_236 = arith.constant 0 : i32
    %dma_wait3A_237 = tpu.memref_slice %arg5[%multiple_of3A_18, %dma_wait3A_236] : memref<100000x64xf32, #tpu.memory_space<hbm>> -> memref<200x64xf32, #tpu.memory_space<hbm>>
    %dma_wait3A_238 = arith.constant 0 : i32
    %dma_wait3A_239 = tpu.memref_slice %arg5[%multiple_of3A_18, %dma_wait3A_238] : memref<100000x64xf32, #tpu.memory_space<hbm>> -> memref<200x64xf32, #tpu.memory_space<hbm>>
    %dma_wait3A_240 = arith.constant 0 : i32
    %dma_wait3A_241 = arith.constant 0 : i32
    %dma_wait3A_242 = tpu.memref_slice %arg6[%dma_wait3A_231, %dma_wait3A_240, %dma_wait3A_241] : memref<4x200x64xf32, #tpu.memory_space<vmem>> -> memref<1x200x64xf32, #tpu.memory_space<vmem>>
    %dma_wait3A_243 = tpu.memref_squeeze %dma_wait3A_242 : memref<1x200x64xf32, #tpu.memory_space<vmem>> -> memref<200x64xf32, #tpu.memory_space<vmem>>
    tpu.wait_dma2 semaphore(%arg13 : memref<!tpu.dma_semaphore, #tpu.memory_space<semaphore_mem>>) src(%dma_wait3A_243 : memref<200x64xf32, #tpu.memory_space<vmem>>) dst(%dma_wait3A_239 : memref<200x64xf32, #tpu.memory_space<hbm>>)
    %dma_start3A_244 = arith.constant 1 : i32
    %dma_start3A_245 = arith.constant 0 : i32
    %dma_start3A_246 = arith.constant 0 : i32
    %dma_start3A_247 = tpu.memref_slice %arg6[%dma_start3A_244, %dma_start3A_245, %dma_start3A_246] : memref<4x200x64xf32, #tpu.memory_space<vmem>> -> memref<1x200x64xf32, #tpu.memory_space<vmem>>
    %dma_start3A_248 = tpu.memref_squeeze %dma_start3A_247 : memref<1x200x64xf32, #tpu.memory_space<vmem>> -> memref<200x64xf32, #tpu.memory_space<vmem>>
    %dma_start3A_249 = arith.constant 0 : i32
    %dma_start3A_250 = tpu.memref_slice %arg3[%multiple_of3A_46, %dma_start3A_249] : memref<100000x64xf32, #tpu.memory_space<hbm>> -> memref<200x64xf32, #tpu.memory_space<hbm>>
    %dma_start3A_251 = arith.constant 0 : i32
    %dma_start3A_252 = arith.constant 0 : i32
    %dma_start3A_253 = tpu.memref_slice %arg6[%dma_start3A_244, %dma_start3A_251, %dma_start3A_252] : memref<4x200x64xf32, #tpu.memory_space<vmem>> -> memref<1x200x64xf32, #tpu.memory_space<vmem>>
    %dma_start3A_254 = tpu.memref_squeeze %dma_start3A_253 : memref<1x200x64xf32, #tpu.memory_space<vmem>> -> memref<200x64xf32, #tpu.memory_space<vmem>>
    %dma_start3A_255 = arith.constant 0 : i32
    %dma_start3A_256 = tpu.memref_slice %arg3[%multiple_of3A_46, %dma_start3A_255] : memref<100000x64xf32, #tpu.memory_space<hbm>> -> memref<200x64xf32, #tpu.memory_space<hbm>>
    tpu.enqueue_dma source(%dma_start3A_256 : memref<200x64xf32, #tpu.memory_space<hbm>>) target(%dma_start3A_254 : memref<200x64xf32, #tpu.memory_space<vmem>>) target_semaphore(%arg9 : memref<!tpu.dma_semaphore, #tpu.memory_space<semaphore_mem>>)
    %dma_wait3A_257 = arith.constant 3 : i32
    %dma_wait3A_258 = arith.constant 0 : i32
    %dma_wait3A_259 = arith.constant 0 : i32
    %dma_wait3A_260 = tpu.memref_slice %arg6[%dma_wait3A_257, %dma_wait3A_258, %dma_wait3A_259] : memref<4x200x64xf32, #tpu.memory_space<vmem>> -> memref<1x200x64xf32, #tpu.memory_space<vmem>>
    %dma_wait3A_261 = tpu.memref_squeeze %dma_wait3A_260 : memref<1x200x64xf32, #tpu.memory_space<vmem>> -> memref<200x64xf32, #tpu.memory_space<vmem>>
    %dma_wait3A_262 = arith.constant 0 : i32
    %dma_wait3A_263 = tpu.memref_slice %arg3[%multiple_of3A_32, %dma_wait3A_262] : memref<100000x64xf32, #tpu.memory_space<hbm>> -> memref<200x64xf32, #tpu.memory_space<hbm>>
    %dma_wait3A_264 = arith.constant 0 : i32
    %dma_wait3A_265 = arith.constant 0 : i32
    %dma_wait3A_266 = tpu.memref_slice %arg6[%dma_wait3A_257, %dma_wait3A_264, %dma_wait3A_265] : memref<4x200x64xf32, #tpu.memory_space<vmem>> -> memref<1x200x64xf32, #tpu.memory_space<vmem>>
    %dma_wait3A_267 = tpu.memref_squeeze %dma_wait3A_266 : memref<1x200x64xf32, #tpu.memory_space<vmem>> -> memref<200x64xf32, #tpu.memory_space<vmem>>
    %dma_wait3A_268 = arith.constant 0 : i32
    %dma_wait3A_269 = tpu.memref_slice %arg3[%multiple_of3A_32, %dma_wait3A_268] : memref<100000x64xf32, #tpu.memory_space<hbm>> -> memref<200x64xf32, #tpu.memory_space<hbm>>
    tpu.wait_dma2 semaphore(%arg11 : memref<!tpu.dma_semaphore, #tpu.memory_space<semaphore_mem>>) src(%dma_wait3A_269 : memref<200x64xf32, #tpu.memory_space<hbm>>) dst(%dma_wait3A_267 : memref<200x64xf32, #tpu.memory_space<vmem>>)
    %dma_start3A_270 = arith.constant 3 : i32
    %dma_start3A_271 = arith.constant 0 : i32
    %dma_start3A_272 = arith.constant 0 : i32
    %dma_start3A_273 = tpu.memref_slice %arg6[%dma_start3A_270, %dma_start3A_271, %dma_start3A_272] : memref<4x200x64xf32, #tpu.memory_space<vmem>> -> memref<1x200x64xf32, #tpu.memory_space<vmem>>
    %dma_start3A_274 = tpu.memref_squeeze %dma_start3A_273 : memref<1x200x64xf32, #tpu.memory_space<vmem>> -> memref<200x64xf32, #tpu.memory_space<vmem>>
    %dma_start3A_275 = arith.constant 0 : i32
    %dma_start3A_276 = tpu.memref_slice %arg5[%multiple_of3A_32, %dma_start3A_275] : memref<100000x64xf32, #tpu.memory_space<hbm>> -> memref<200x64xf32, #tpu.memory_space<hbm>>
    %dma_start3A_277 = arith.constant 0 : i32
    %dma_start3A_278 = tpu.memref_slice %arg5[%multiple_of3A_32, %dma_start3A_277] : memref<100000x64xf32, #tpu.memory_space<hbm>> -> memref<200x64xf32, #tpu.memory_space<hbm>>
    %dma_start3A_279 = arith.constant 0 : i32
    %dma_start3A_280 = arith.constant 0 : i32
    %dma_start3A_281 = tpu.memref_slice %arg6[%dma_start3A_270, %dma_start3A_279, %dma_start3A_280] : memref<4x200x64xf32, #tpu.memory_space<vmem>> -> memref<1x200x64xf32, #tpu.memory_space<vmem>>
    %dma_start3A_282 = tpu.memref_squeeze %dma_start3A_281 : memref<1x200x64xf32, #tpu.memory_space<vmem>> -> memref<200x64xf32, #tpu.memory_space<vmem>>
    tpu.enqueue_dma source(%dma_start3A_282 : memref<200x64xf32, #tpu.memory_space<vmem>>) target(%dma_start3A_278 : memref<200x64xf32, #tpu.memory_space<hbm>>) target_semaphore(%arg15 : memref<!tpu.dma_semaphore, #tpu.memory_space<semaphore_mem>>)
    %dma_wait3A_283 = arith.constant 2 : i32
    %dma_wait3A_284 = arith.constant 0 : i32
    %dma_wait3A_285 = arith.constant 0 : i32
    %dma_wait3A_286 = tpu.memref_slice %arg6[%dma_wait3A_283, %dma_wait3A_284, %dma_wait3A_285] : memref<4x200x64xf32, #tpu.memory_space<vmem>> -> memref<1x200x64xf32, #tpu.memory_space<vmem>>
    %dma_wait3A_287 = tpu.memref_squeeze %dma_wait3A_286 : memref<1x200x64xf32, #tpu.memory_space<vmem>> -> memref<200x64xf32, #tpu.memory_space<vmem>>
    %dma_wait3A_288 = arith.constant 0 : i32
    %dma_wait3A_289 = tpu.memref_slice %arg5[%multiple_of3A_25, %dma_wait3A_288] : memref<100000x64xf32, #tpu.memory_space<hbm>> -> memref<200x64xf32, #tpu.memory_space<hbm>>
    %dma_wait3A_290 = arith.constant 0 : i32
    %dma_wait3A_291 = tpu.memref_slice %arg5[%multiple_of3A_25, %dma_wait3A_290] : memref<100000x64xf32, #tpu.memory_space<hbm>> -> memref<200x64xf32, #tpu.memory_space<hbm>>
    %dma_wait3A_292 = arith.constant 0 : i32
    %dma_wait3A_293 = arith.constant 0 : i32
    %dma_wait3A_294 = tpu.memref_slice %arg6[%dma_wait3A_283, %dma_wait3A_292, %dma_wait3A_293] : memref<4x200x64xf32, #tpu.memory_space<vmem>> -> memref<1x200x64xf32, #tpu.memory_space<vmem>>
    %dma_wait3A_295 = tpu.memref_squeeze %dma_wait3A_294 : memref<1x200x64xf32, #tpu.memory_space<vmem>> -> memref<200x64xf32, #tpu.memory_space<vmem>>
    tpu.wait_dma2 semaphore(%arg14 : memref<!tpu.dma_semaphore, #tpu.memory_space<semaphore_mem>>) src(%dma_wait3A_295 : memref<200x64xf32, #tpu.memory_space<vmem>>) dst(%dma_wait3A_291 : memref<200x64xf32, #tpu.memory_space<hbm>>)
    %dma_start3A_296 = arith.constant 2 : i32
    %dma_start3A_297 = arith.constant 0 : i32
    %dma_start3A_298 = arith.constant 0 : i32
    %dma_start3A_299 = tpu.memref_slice %arg6[%dma_start3A_296, %dma_start3A_297, %dma_start3A_298] : memref<4x200x64xf32, #tpu.memory_space<vmem>> -> memref<1x200x64xf32, #tpu.memory_space<vmem>>
    %dma_start3A_300 = tpu.memref_squeeze %dma_start3A_299 : memref<1x200x64xf32, #tpu.memory_space<vmem>> -> memref<200x64xf32, #tpu.memory_space<vmem>>
    %dma_start3A_301 = arith.constant 0 : i32
    %dma_start3A_302 = tpu.memref_slice %arg3[%multiple_of3A_53, %dma_start3A_301] : memref<100000x64xf32, #tpu.memory_space<hbm>> -> memref<200x64xf32, #tpu.memory_space<hbm>>
    %dma_start3A_303 = arith.constant 0 : i32
    %dma_start3A_304 = arith.constant 0 : i32
    %dma_start3A_305 = tpu.memref_slice %arg6[%dma_start3A_296, %dma_start3A_303, %dma_start3A_304] : memref<4x200x64xf32, #tpu.memory_space<vmem>> -> memref<1x200x64xf32, #tpu.memory_space<vmem>>
    %dma_start3A_306 = tpu.memref_squeeze %dma_start3A_305 : memref<1x200x64xf32, #tpu.memory_space<vmem>> -> memref<200x64xf32, #tpu.memory_space<vmem>>
    %dma_start3A_307 = arith.constant 0 : i32
    %dma_start3A_308 = tpu.memref_slice %arg3[%multiple_of3A_53, %dma_start3A_307] : memref<100000x64xf32, #tpu.memory_space<hbm>> -> memref<200x64xf32, #tpu.memory_space<hbm>>
    tpu.enqueue_dma source(%dma_start3A_308 : memref<200x64xf32, #tpu.memory_space<hbm>>) target(%dma_start3A_306 : memref<200x64xf32, #tpu.memory_space<vmem>>) target_semaphore(%arg10 : memref<!tpu.dma_semaphore, #tpu.memory_space<semaphore_mem>>)
    %dma_wait3A_309 = arith.constant 0 : i32
    %dma_wait3A_310 = arith.constant 0 : i32
    %dma_wait3A_311 = arith.constant 0 : i32
    %dma_wait3A_312 = tpu.memref_slice %arg6[%dma_wait3A_309, %dma_wait3A_310, %dma_wait3A_311] : memref<4x200x64xf32, #tpu.memory_space<vmem>> -> memref<1x200x64xf32, #tpu.memory_space<vmem>>
    %dma_wait3A_313 = tpu.memref_squeeze %dma_wait3A_312 : memref<1x200x64xf32, #tpu.memory_space<vmem>> -> memref<200x64xf32, #tpu.memory_space<vmem>>
    %dma_wait3A_314 = arith.constant 0 : i32
    %dma_wait3A_315 = tpu.memref_slice %arg3[%multiple_of3A_39, %dma_wait3A_314] : memref<100000x64xf32, #tpu.memory_space<hbm>> -> memref<200x64xf32, #tpu.memory_space<hbm>>
    %dma_wait3A_316 = arith.constant 0 : i32
    %dma_wait3A_317 = arith.constant 0 : i32
    %dma_wait3A_318 = tpu.memref_slice %arg6[%dma_wait3A_309, %dma_wait3A_316, %dma_wait3A_317] : memref<4x200x64xf32, #tpu.memory_space<vmem>> -> memref<1x200x64xf32, #tpu.memory_space<vmem>>
    %dma_wait3A_319 = tpu.memref_squeeze %dma_wait3A_318 : memref<1x200x64xf32, #tpu.memory_space<vmem>> -> memref<200x64xf32, #tpu.memory_space<vmem>>
    %dma_wait3A_320 = arith.constant 0 : i32
    %dma_wait3A_321 = tpu.memref_slice %arg3[%multiple_of3A_39, %dma_wait3A_320] : memref<100000x64xf32, #tpu.memory_space<hbm>> -> memref<200x64xf32, #tpu.memory_space<hbm>>
    tpu.wait_dma2 semaphore(%arg8 : memref<!tpu.dma_semaphore, #tpu.memory_space<semaphore_mem>>) src(%dma_wait3A_321 : memref<200x64xf32, #tpu.memory_space<hbm>>) dst(%dma_wait3A_319 : memref<200x64xf32, #tpu.memory_space<vmem>>)
    %dma_start3A_322 = arith.constant 0 : i32
    %dma_start3A_323 = arith.constant 0 : i32
    %dma_start3A_324 = arith.constant 0 : i32
    %dma_start3A_325 = tpu.memref_slice %arg6[%dma_start3A_322, %dma_start3A_323, %dma_start3A_324] : memref<4x200x64xf32, #tpu.memory_space<vmem>> -> memref<1x200x64xf32, #tpu.memory_space<vmem>>
    %dma_start3A_326 = tpu.memref_squeeze %dma_start3A_325 : memref<1x200x64xf32, #tpu.memory_space<vmem>> -> memref<200x64xf32, #tpu.memory_space<vmem>>
    %dma_start3A_327 = arith.constant 0 : i32
    %dma_start3A_328 = tpu.memref_slice %arg5[%multiple_of3A_39, %dma_start3A_327] : memref<100000x64xf32, #tpu.memory_space<hbm>> -> memref<200x64xf32, #tpu.memory_space<hbm>>
    %dma_start3A_329 = arith.constant 0 : i32
    %dma_start3A_330 = tpu.memref_slice %arg5[%multiple_of3A_39, %dma_start3A_329] : memref<100000x64xf32, #tpu.memory_space<hbm>> -> memref<200x64xf32, #tpu.memory_space<hbm>>
    %dma_start3A_331 = arith.constant 0 : i32
    %dma_start3A_332 = arith.constant 0 : i32
    %dma_start3A_333 = tpu.memref_slice %arg6[%dma_start3A_322, %dma_start3A_331, %dma_start3A_332] : memref<4x200x64xf32, #tpu.memory_space<vmem>> -> memref<1x200x64xf32, #tpu.memory_space<vmem>>
    %dma_start3A_334 = tpu.memref_squeeze %dma_start3A_333 : memref<1x200x64xf32, #tpu.memory_space<vmem>> -> memref<200x64xf32, #tpu.memory_space<vmem>>
    tpu.enqueue_dma source(%dma_start3A_334 : memref<200x64xf32, #tpu.memory_space<vmem>>) target(%dma_start3A_330 : memref<200x64xf32, #tpu.memory_space<hbm>>) target_semaphore(%arg12 : memref<!tpu.dma_semaphore, #tpu.memory_space<semaphore_mem>>)
    %dma_wait3A_335 = arith.constant 3 : i32
    %dma_wait3A_336 = arith.constant 0 : i32
    %dma_wait3A_337 = arith.constant 0 : i32
    %dma_wait3A_338 = tpu.memref_slice %arg6[%dma_wait3A_335, %dma_wait3A_336, %dma_wait3A_337] : memref<4x200x64xf32, #tpu.memory_space<vmem>> -> memref<1x200x64xf32, #tpu.memory_space<vmem>>
    %dma_wait3A_339 = tpu.memref_squeeze %dma_wait3A_338 : memref<1x200x64xf32, #tpu.memory_space<vmem>> -> memref<200x64xf32, #tpu.memory_space<vmem>>
    %dma_wait3A_340 = arith.constant 0 : i32
    %dma_wait3A_341 = tpu.memref_slice %arg5[%multiple_of3A_32, %dma_wait3A_340] : memref<100000x64xf32, #tpu.memory_space<hbm>> -> memref<200x64xf32, #tpu.memory_space<hbm>>
    %dma_wait3A_342 = arith.constant 0 : i32
    %dma_wait3A_343 = tpu.memref_slice %arg5[%multiple_of3A_32, %dma_wait3A_342] : memref<100000x64xf32, #tpu.memory_space<hbm>> -> memref<200x64xf32, #tpu.memory_space<hbm>>
    %dma_wait3A_344 = arith.constant 0 : i32
    %dma_wait3A_345 = arith.constant 0 : i32
    %dma_wait3A_346 = tpu.memref_slice %arg6[%dma_wait3A_335, %dma_wait3A_344, %dma_wait3A_345] : memref<4x200x64xf32, #tpu.memory_space<vmem>> -> memref<1x200x64xf32, #tpu.memory_space<vmem>>
    %dma_wait3A_347 = tpu.memref_squeeze %dma_wait3A_346 : memref<1x200x64xf32, #tpu.memory_space<vmem>> -> memref<200x64xf32, #tpu.memory_space<vmem>>
    tpu.wait_dma2 semaphore(%arg15 : memref<!tpu.dma_semaphore, #tpu.memory_space<semaphore_mem>>) src(%dma_wait3A_347 : memref<200x64xf32, #tpu.memory_space<vmem>>) dst(%dma_wait3A_343 : memref<200x64xf32, #tpu.memory_space<hbm>>)
    %dma_start3A_348 = arith.constant 3 : i32
    %dma_start3A_349 = arith.constant 0 : i32
    %dma_start3A_350 = arith.constant 0 : i32
    %dma_start3A_351 = tpu.memref_slice %arg6[%dma_start3A_348, %dma_start3A_349, %dma_start3A_350] : memref<4x200x64xf32, #tpu.memory_space<vmem>> -> memref<1x200x64xf32, #tpu.memory_space<vmem>>
    %dma_start3A_352 = tpu.memref_squeeze %dma_start3A_351 : memref<1x200x64xf32, #tpu.memory_space<vmem>> -> memref<200x64xf32, #tpu.memory_space<vmem>>
    %dma_start3A_353 = arith.constant 0 : i32
    %dma_start3A_354 = tpu.memref_slice %arg3[%multiple_of3A_60, %dma_start3A_353] : memref<100000x64xf32, #tpu.memory_space<hbm>> -> memref<200x64xf32, #tpu.memory_space<hbm>>
    %dma_start3A_355 = arith.constant 0 : i32
    %dma_start3A_356 = arith.constant 0 : i32
    %dma_start3A_357 = tpu.memref_slice %arg6[%dma_start3A_348, %dma_start3A_355, %dma_start3A_356] : memref<4x200x64xf32, #tpu.memory_space<vmem>> -> memref<1x200x64xf32, #tpu.memory_space<vmem>>
    %dma_start3A_358 = tpu.memref_squeeze %dma_start3A_357 : memref<1x200x64xf32, #tpu.memory_space<vmem>> -> memref<200x64xf32, #tpu.memory_space<vmem>>
    %dma_start3A_359 = arith.constant 0 : i32
    %dma_start3A_360 = tpu.memref_slice %arg3[%multiple_of3A_60, %dma_start3A_359] : memref<100000x64xf32, #tpu.memory_space<hbm>> -> memref<200x64xf32, #tpu.memory_space<hbm>>
    tpu.enqueue_dma source(%dma_start3A_360 : memref<200x64xf32, #tpu.memory_space<hbm>>) target(%dma_start3A_358 : memref<200x64xf32, #tpu.memory_space<vmem>>) target_semaphore(%arg11 : memref<!tpu.dma_semaphore, #tpu.memory_space<semaphore_mem>>)
    %dma_wait3A_361 = arith.constant 1 : i32
    %dma_wait3A_362 = arith.constant 0 : i32
    %dma_wait3A_363 = arith.constant 0 : i32
    %dma_wait3A_364 = tpu.memref_slice %arg6[%dma_wait3A_361, %dma_wait3A_362, %dma_wait3A_363] : memref<4x200x64xf32, #tpu.memory_space<vmem>> -> memref<1x200x64xf32, #tpu.memory_space<vmem>>
    %dma_wait3A_365 = tpu.memref_squeeze %dma_wait3A_364 : memref<1x200x64xf32, #tpu.memory_space<vmem>> -> memref<200x64xf32, #tpu.memory_space<vmem>>
    %dma_wait3A_366 = arith.constant 0 : i32
    %dma_wait3A_367 = tpu.memref_slice %arg3[%multiple_of3A_46, %dma_wait3A_366] : memref<100000x64xf32, #tpu.memory_space<hbm>> -> memref<200x64xf32, #tpu.memory_space<hbm>>
    %dma_wait3A_368 = arith.constant 0 : i32
    %dma_wait3A_369 = arith.constant 0 : i32
    %dma_wait3A_370 = tpu.memref_slice %arg6[%dma_wait3A_361, %dma_wait3A_368, %dma_wait3A_369] : memref<4x200x64xf32, #tpu.memory_space<vmem>> -> memref<1x200x64xf32, #tpu.memory_space<vmem>>
    %dma_wait3A_371 = tpu.memref_squeeze %dma_wait3A_370 : memref<1x200x64xf32, #tpu.memory_space<vmem>> -> memref<200x64xf32, #tpu.memory_space<vmem>>
    %dma_wait3A_372 = arith.constant 0 : i32
    %dma_wait3A_373 = tpu.memref_slice %arg3[%multiple_of3A_46, %dma_wait3A_372] : memref<100000x64xf32, #tpu.memory_space<hbm>> -> memref<200x64xf32, #tpu.memory_space<hbm>>
    tpu.wait_dma2 semaphore(%arg9 : memref<!tpu.dma_semaphore, #tpu.memory_space<semaphore_mem>>) src(%dma_wait3A_373 : memref<200x64xf32, #tpu.memory_space<hbm>>) dst(%dma_wait3A_371 : memref<200x64xf32, #tpu.memory_space<vmem>>)
    %dma_start3A_374 = arith.constant 1 : i32
    %dma_start3A_375 = arith.constant 0 : i32
    %dma_start3A_376 = arith.constant 0 : i32
    %dma_start3A_377 = tpu.memref_slice %arg6[%dma_start3A_374, %dma_start3A_375, %dma_start3A_376] : memref<4x200x64xf32, #tpu.memory_space<vmem>> -> memref<1x200x64xf32, #tpu.memory_space<vmem>>
    %dma_start3A_378 = tpu.memref_squeeze %dma_start3A_377 : memref<1x200x64xf32, #tpu.memory_space<vmem>> -> memref<200x64xf32, #tpu.memory_space<vmem>>
    %dma_start3A_379 = arith.constant 0 : i32
    %dma_start3A_380 = tpu.memref_slice %arg5[%multiple_of3A_46, %dma_start3A_379] : memref<100000x64xf32, #tpu.memory_space<hbm>> -> memref<200x64xf32, #tpu.memory_space<hbm>>
    %dma_start3A_381 = arith.constant 0 : i32
    %dma_start3A_382 = tpu.memref_slice %arg5[%multiple_of3A_46, %dma_start3A_381] : memref<100000x64xf32, #tpu.memory_space<hbm>> -> memref<200x64xf32, #tpu.memory_space<hbm>>
    %dma_start3A_383 = arith.constant 0 : i32
    %dma_start3A_384 = arith.constant 0 : i32
    %dma_start3A_385 = tpu.memref_slice %arg6[%dma_start3A_374, %dma_start3A_383, %dma_start3A_384] : memref<4x200x64xf32, #tpu.memory_space<vmem>> -> memref<1x200x64xf32, #tpu.memory_space<vmem>>
    %dma_start3A_386 = tpu.memref_squeeze %dma_start3A_385 : memref<1x200x64xf32, #tpu.memory_space<vmem>> -> memref<200x64xf32, #tpu.memory_space<vmem>>
    tpu.enqueue_dma source(%dma_start3A_386 : memref<200x64xf32, #tpu.memory_space<vmem>>) target(%dma_start3A_382 : memref<200x64xf32, #tpu.memory_space<hbm>>) target_semaphore(%arg13 : memref<!tpu.dma_semaphore, #tpu.memory_space<semaphore_mem>>)
    %dma_wait3A_387 = arith.constant 0 : i32
    %dma_wait3A_388 = arith.constant 0 : i32
    %dma_wait3A_389 = arith.constant 0 : i32
    %dma_wait3A_390 = tpu.memref_slice %arg6[%dma_wait3A_387, %dma_wait3A_388, %dma_wait3A_389] : memref<4x200x64xf32, #tpu.memory_space<vmem>> -> memref<1x200x64xf32, #tpu.memory_space<vmem>>
    %dma_wait3A_391 = tpu.memref_squeeze %dma_wait3A_390 : memref<1x200x64xf32, #tpu.memory_space<vmem>> -> memref<200x64xf32, #tpu.memory_space<vmem>>
    %dma_wait3A_392 = arith.constant 0 : i32
    %dma_wait3A_393 = tpu.memref_slice %arg5[%multiple_of3A_39, %dma_wait3A_392] : memref<100000x64xf32, #tpu.memory_space<hbm>> -> memref<200x64xf32, #tpu.memory_space<hbm>>
    %dma_wait3A_394 = arith.constant 0 : i32
    %dma_wait3A_395 = tpu.memref_slice %arg5[%multiple_of3A_39, %dma_wait3A_394] : memref<100000x64xf32, #tpu.memory_space<hbm>> -> memref<200x64xf32, #tpu.memory_space<hbm>>
    %dma_wait3A_396 = arith.constant 0 : i32
    %dma_wait3A_397 = arith.constant 0 : i32
    %dma_wait3A_398 = tpu.memref_slice %arg6[%dma_wait3A_387, %dma_wait3A_396, %dma_wait3A_397] : memref<4x200x64xf32, #tpu.memory_space<vmem>> -> memref<1x200x64xf32, #tpu.memory_space<vmem>>
    %dma_wait3A_399 = tpu.memref_squeeze %dma_wait3A_398 : memref<1x200x64xf32, #tpu.memory_space<vmem>> -> memref<200x64xf32, #tpu.memory_space<vmem>>
    tpu.wait_dma2 semaphore(%arg12 : memref<!tpu.dma_semaphore, #tpu.memory_space<semaphore_mem>>) src(%dma_wait3A_399 : memref<200x64xf32, #tpu.memory_space<vmem>>) dst(%dma_wait3A_395 : memref<200x64xf32, #tpu.memory_space<hbm>>)
    %dma_start3A_400 = arith.constant 0 : i32
    %dma_start3A_401 = arith.constant 0 : i32
    %dma_start3A_402 = arith.constant 0 : i32
    %dma_start3A_403 = tpu.memref_slice %arg6[%dma_start3A_400, %dma_start3A_401, %dma_start3A_402] : memref<4x200x64xf32, #tpu.memory_space<vmem>> -> memref<1x200x64xf32, #tpu.memory_space<vmem>>
    %dma_start3A_404 = tpu.memref_squeeze %dma_start3A_403 : memref<1x200x64xf32, #tpu.memory_space<vmem>> -> memref<200x64xf32, #tpu.memory_space<vmem>>
    %dma_start3A_405 = arith.constant 0 : i32
    %dma_start3A_406 = tpu.memref_slice %arg3[%multiple_of3A_67, %dma_start3A_405] : memref<100000x64xf32, #tpu.memory_space<hbm>> -> memref<200x64xf32, #tpu.memory_space<hbm>>
    %dma_start3A_407 = arith.constant 0 : i32
    %dma_start3A_408 = arith.constant 0 : i32
    %dma_start3A_409 = tpu.memref_slice %arg6[%dma_start3A_400, %dma_start3A_407, %dma_start3A_408] : memref<4x200x64xf32, #tpu.memory_space<vmem>> -> memref<1x200x64xf32, #tpu.memory_space<vmem>>
    %dma_start3A_410 = tpu.memref_squeeze %dma_start3A_409 : memref<1x200x64xf32, #tpu.memory_space<vmem>> -> memref<200x64xf32, #tpu.memory_space<vmem>>
    %dma_start3A_411 = arith.constant 0 : i32
    %dma_start3A_412 = tpu.memref_slice %arg3[%multiple_of3A_67, %dma_start3A_411] : memref<100000x64xf32, #tpu.memory_space<hbm>> -> memref<200x64xf32, #tpu.memory_space<hbm>>
    tpu.enqueue_dma source(%dma_start3A_412 : memref<200x64xf32, #tpu.memory_space<hbm>>) target(%dma_start3A_410 : memref<200x64xf32, #tpu.memory_space<vmem>>) target_semaphore(%arg8 : memref<!tpu.dma_semaphore, #tpu.memory_space<semaphore_mem>>)
    %dma_wait3A_413 = arith.constant 2 : i32
    %dma_wait3A_414 = arith.constant 0 : i32
    %dma_wait3A_415 = arith.constant 0 : i32
    %dma_wait3A_416 = tpu.memref_slice %arg6[%dma_wait3A_413, %dma_wait3A_414, %dma_wait3A_415] : memref<4x200x64xf32, #tpu.memory_space<vmem>> -> memref<1x200x64xf32, #tpu.memory_space<vmem>>
    %dma_wait3A_417 = tpu.memref_squeeze %dma_wait3A_416 : memref<1x200x64xf32, #tpu.memory_space<vmem>> -> memref<200x64xf32, #tpu.memory_space<vmem>>
    %dma_wait3A_418 = arith.constant 0 : i32
    %dma_wait3A_419 = tpu.memref_slice %arg3[%multiple_of3A_53, %dma_wait3A_418] : memref<100000x64xf32, #tpu.memory_space<hbm>> -> memref<200x64xf32, #tpu.memory_space<hbm>>
    %dma_wait3A_420 = arith.constant 0 : i32
    %dma_wait3A_421 = arith.constant 0 : i32
    %dma_wait3A_422 = tpu.memref_slice %arg6[%dma_wait3A_413, %dma_wait3A_420, %dma_wait3A_421] : memref<4x200x64xf32, #tpu.memory_space<vmem>> -> memref<1x200x64xf32, #tpu.memory_space<vmem>>
    %dma_wait3A_423 = tpu.memref_squeeze %dma_wait3A_422 : memref<1x200x64xf32, #tpu.memory_space<vmem>> -> memref<200x64xf32, #tpu.memory_space<vmem>>
    %dma_wait3A_424 = arith.constant 0 : i32
    %dma_wait3A_425 = tpu.memref_slice %arg3[%multiple_of3A_53, %dma_wait3A_424] : memref<100000x64xf32, #tpu.memory_space<hbm>> -> memref<200x64xf32, #tpu.memory_space<hbm>>
    tpu.wait_dma2 semaphore(%arg10 : memref<!tpu.dma_semaphore, #tpu.memory_space<semaphore_mem>>) src(%dma_wait3A_425 : memref<200x64xf32, #tpu.memory_space<hbm>>) dst(%dma_wait3A_423 : memref<200x64xf32, #tpu.memory_space<vmem>>)
    %dma_start3A_426 = arith.constant 2 : i32
    %dma_start3A_427 = arith.constant 0 : i32
    %dma_start3A_428 = arith.constant 0 : i32
    %dma_start3A_429 = tpu.memref_slice %arg6[%dma_start3A_426, %dma_start3A_427, %dma_start3A_428] : memref<4x200x64xf32, #tpu.memory_space<vmem>> -> memref<1x200x64xf32, #tpu.memory_space<vmem>>
    %dma_start3A_430 = tpu.memref_squeeze %dma_start3A_429 : memref<1x200x64xf32, #tpu.memory_space<vmem>> -> memref<200x64xf32, #tpu.memory_space<vmem>>
    %dma_start3A_431 = arith.constant 0 : i32
    %dma_start3A_432 = tpu.memref_slice %arg5[%multiple_of3A_53, %dma_start3A_431] : memref<100000x64xf32, #tpu.memory_space<hbm>> -> memref<200x64xf32, #tpu.memory_space<hbm>>
    %dma_start3A_433 = arith.constant 0 : i32
    %dma_start3A_434 = tpu.memref_slice %arg5[%multiple_of3A_53, %dma_start3A_433] : memref<100000x64xf32, #tpu.memory_space<hbm>> -> memref<200x64xf32, #tpu.memory_space<hbm>>
    %dma_start3A_435 = arith.constant 0 : i32
    %dma_start3A_436 = arith.constant 0 : i32
    %dma_start3A_437 = tpu.memref_slice %arg6[%dma_start3A_426, %dma_start3A_435, %dma_start3A_436] : memref<4x200x64xf32, #tpu.memory_space<vmem>> -> memref<1x200x64xf32, #tpu.memory_space<vmem>>
    %dma_start3A_438 = tpu.memref_squeeze %dma_start3A_437 : memref<1x200x64xf32, #tpu.memory_space<vmem>> -> memref<200x64xf32, #tpu.memory_space<vmem>>
    tpu.enqueue_dma source(%dma_start3A_438 : memref<200x64xf32, #tpu.memory_space<vmem>>) target(%dma_start3A_434 : memref<200x64xf32, #tpu.memory_space<hbm>>) target_semaphore(%arg14 : memref<!tpu.dma_semaphore, #tpu.memory_space<semaphore_mem>>)
    %dma_wait3A_439 = arith.constant 1 : i32
    %dma_wait3A_440 = arith.constant 0 : i32
    %dma_wait3A_441 = arith.constant 0 : i32
    %dma_wait3A_442 = tpu.memref_slice %arg6[%dma_wait3A_439, %dma_wait3A_440, %dma_wait3A_441] : memref<4x200x64xf32, #tpu.memory_space<vmem>> -> memref<1x200x64xf32, #tpu.memory_space<vmem>>
    %dma_wait3A_443 = tpu.memref_squeeze %dma_wait3A_442 : memref<1x200x64xf32, #tpu.memory_space<vmem>> -> memref<200x64xf32, #tpu.memory_space<vmem>>
    %dma_wait3A_444 = arith.constant 0 : i32
    %dma_wait3A_445 = tpu.memref_slice %arg5[%multiple_of3A_46, %dma_wait3A_444] : memref<100000x64xf32, #tpu.memory_space<hbm>> -> memref<200x64xf32, #tpu.memory_space<hbm>>
    %dma_wait3A_446 = arith.constant 0 : i32
    %dma_wait3A_447 = tpu.memref_slice %arg5[%multiple_of3A_46, %dma_wait3A_446] : memref<100000x64xf32, #tpu.memory_space<hbm>> -> memref<200x64xf32, #tpu.memory_space<hbm>>
    %dma_wait3A_448 = arith.constant 0 : i32
    %dma_wait3A_449 = arith.constant 0 : i32
    %dma_wait3A_450 = tpu.memref_slice %arg6[%dma_wait3A_439, %dma_wait3A_448, %dma_wait3A_449] : memref<4x200x64xf32, #tpu.memory_space<vmem>> -> memref<1x200x64xf32, #tpu.memory_space<vmem>>
    %dma_wait3A_451 = tpu.memref_squeeze %dma_wait3A_450 : memref<1x200x64xf32, #tpu.memory_space<vmem>> -> memref<200x64xf32, #tpu.memory_space<vmem>>
    tpu.wait_dma2 semaphore(%arg13 : memref<!tpu.dma_semaphore, #tpu.memory_space<semaphore_mem>>) src(%dma_wait3A_451 : memref<200x64xf32, #tpu.memory_space<vmem>>) dst(%dma_wait3A_447 : memref<200x64xf32, #tpu.memory_space<hbm>>)
    %lt3A = arith.constant 12 : i32
    %lt3A_452 = arith.cmpi slt, %add3A, %lt3A : i32
    %convert_element_type3A = arith.extui %lt3A_452 : i1 to i32
    %cond3A = arith.constant 1 : i32
    %cond3A_453 = arith.constant 0 : i32
    %cond3A_454 = arith.cmpi ne, %convert_element_type3A, %cond3A_453 : i32
    scf.if %cond3A_454 {
      %dma_start3A_576 = arith.constant 0 : i32
      %dma_start3A_577 = arith.constant 0 : i32
      %dma_start3A_578 = tpu.memref_slice %arg6[%cond3A, %dma_start3A_576, %dma_start3A_577] : memref<4x200x64xf32, #tpu.memory_space<vmem>> -> memref<1x200x64xf32, #tpu.memory_space<vmem>>
      %dma_start3A_579 = tpu.memref_squeeze %dma_start3A_578 : memref<1x200x64xf32, #tpu.memory_space<vmem>> -> memref<200x64xf32, #tpu.memory_space<vmem>>
      %dma_start3A_580 = arith.constant 0 : i32
      %dma_start3A_581 = tpu.memref_slice %arg3[%multiple_of3A_75, %dma_start3A_580] : memref<100000x64xf32, #tpu.memory_space<hbm>> -> memref<200x64xf32, #tpu.memory_space<hbm>>
      %dma_start3A_582 = arith.constant 0 : i32
      %dma_start3A_583 = arith.constant 0 : i32
      %dma_start3A_584 = tpu.memref_slice %arg6[%cond3A, %dma_start3A_582, %dma_start3A_583] : memref<4x200x64xf32, #tpu.memory_space<vmem>> -> memref<1x200x64xf32, #tpu.memory_space<vmem>>
      %dma_start3A_585 = tpu.memref_squeeze %dma_start3A_584 : memref<1x200x64xf32, #tpu.memory_space<vmem>> -> memref<200x64xf32, #tpu.memory_space<vmem>>
      %dma_start3A_586 = arith.constant 0 : i32
      %dma_start3A_587 = tpu.memref_slice %arg3[%multiple_of3A_75, %dma_start3A_586] : memref<100000x64xf32, #tpu.memory_space<hbm>> -> memref<200x64xf32, #tpu.memory_space<hbm>>
      tpu.enqueue_dma source(%dma_start3A_587 : memref<200x64xf32, #tpu.memory_space<hbm>>) target(%dma_start3A_585 : memref<200x64xf32, #tpu.memory_space<vmem>>) target_semaphore(%arg9 : memref<!tpu.dma_semaphore, #tpu.memory_space<semaphore_mem>>)
    } else {
    }
    %dma_wait3A_455 = arith.constant 3 : i32
    %dma_wait3A_456 = arith.constant 0 : i32
    %dma_wait3A_457 = arith.constant 0 : i32
    %dma_wait3A_458 = tpu.memref_slice %arg6[%dma_wait3A_455, %dma_wait3A_456, %dma_wait3A_457] : memref<4x200x64xf32, #tpu.memory_space<vmem>> -> memref<1x200x64xf32, #tpu.memory_space<vmem>>
    %dma_wait3A_459 = tpu.memref_squeeze %dma_wait3A_458 : memref<1x200x64xf32, #tpu.memory_space<vmem>> -> memref<200x64xf32, #tpu.memory_space<vmem>>
    %dma_wait3A_460 = arith.constant 0 : i32
    %dma_wait3A_461 = tpu.memref_slice %arg3[%multiple_of3A_60, %dma_wait3A_460] : memref<100000x64xf32, #tpu.memory_space<hbm>> -> memref<200x64xf32, #tpu.memory_space<hbm>>
    %dma_wait3A_462 = arith.constant 0 : i32
    %dma_wait3A_463 = arith.constant 0 : i32
    %dma_wait3A_464 = tpu.memref_slice %arg6[%dma_wait3A_455, %dma_wait3A_462, %dma_wait3A_463] : memref<4x200x64xf32, #tpu.memory_space<vmem>> -> memref<1x200x64xf32, #tpu.memory_space<vmem>>
    %dma_wait3A_465 = tpu.memref_squeeze %dma_wait3A_464 : memref<1x200x64xf32, #tpu.memory_space<vmem>> -> memref<200x64xf32, #tpu.memory_space<vmem>>
    %dma_wait3A_466 = arith.constant 0 : i32
    %dma_wait3A_467 = tpu.memref_slice %arg3[%multiple_of3A_60, %dma_wait3A_466] : memref<100000x64xf32, #tpu.memory_space<hbm>> -> memref<200x64xf32, #tpu.memory_space<hbm>>
    tpu.wait_dma2 semaphore(%arg11 : memref<!tpu.dma_semaphore, #tpu.memory_space<semaphore_mem>>) src(%dma_wait3A_467 : memref<200x64xf32, #tpu.memory_space<hbm>>) dst(%dma_wait3A_465 : memref<200x64xf32, #tpu.memory_space<vmem>>)
    %dma_start3A_468 = arith.constant 3 : i32
    %dma_start3A_469 = arith.constant 0 : i32
    %dma_start3A_470 = arith.constant 0 : i32
    %dma_start3A_471 = tpu.memref_slice %arg6[%dma_start3A_468, %dma_start3A_469, %dma_start3A_470] : memref<4x200x64xf32, #tpu.memory_space<vmem>> -> memref<1x200x64xf32, #tpu.memory_space<vmem>>
    %dma_start3A_472 = tpu.memref_squeeze %dma_start3A_471 : memref<1x200x64xf32, #tpu.memory_space<vmem>> -> memref<200x64xf32, #tpu.memory_space<vmem>>
    %dma_start3A_473 = arith.constant 0 : i32
    %dma_start3A_474 = tpu.memref_slice %arg5[%multiple_of3A_60, %dma_start3A_473] : memref<100000x64xf32, #tpu.memory_space<hbm>> -> memref<200x64xf32, #tpu.memory_space<hbm>>
    %dma_start3A_475 = arith.constant 0 : i32
    %dma_start3A_476 = tpu.memref_slice %arg5[%multiple_of3A_60, %dma_start3A_475] : memref<100000x64xf32, #tpu.memory_space<hbm>> -> memref<200x64xf32, #tpu.memory_space<hbm>>
    %dma_start3A_477 = arith.constant 0 : i32
    %dma_start3A_478 = arith.constant 0 : i32
    %dma_start3A_479 = tpu.memref_slice %arg6[%dma_start3A_468, %dma_start3A_477, %dma_start3A_478] : memref<4x200x64xf32, #tpu.memory_space<vmem>> -> memref<1x200x64xf32, #tpu.memory_space<vmem>>
    %dma_start3A_480 = tpu.memref_squeeze %dma_start3A_479 : memref<1x200x64xf32, #tpu.memory_space<vmem>> -> memref<200x64xf32, #tpu.memory_space<vmem>>
    tpu.enqueue_dma source(%dma_start3A_480 : memref<200x64xf32, #tpu.memory_space<vmem>>) target(%dma_start3A_476 : memref<200x64xf32, #tpu.memory_space<hbm>>) target_semaphore(%arg15 : memref<!tpu.dma_semaphore, #tpu.memory_space<semaphore_mem>>)
    %dma_wait3A_481 = arith.constant 2 : i32
    %dma_wait3A_482 = arith.constant 0 : i32
    %dma_wait3A_483 = arith.constant 0 : i32
    %dma_wait3A_484 = tpu.memref_slice %arg6[%dma_wait3A_481, %dma_wait3A_482, %dma_wait3A_483] : memref<4x200x64xf32, #tpu.memory_space<vmem>> -> memref<1x200x64xf32, #tpu.memory_space<vmem>>
    %dma_wait3A_485 = tpu.memref_squeeze %dma_wait3A_484 : memref<1x200x64xf32, #tpu.memory_space<vmem>> -> memref<200x64xf32, #tpu.memory_space<vmem>>
    %dma_wait3A_486 = arith.constant 0 : i32
    %dma_wait3A_487 = tpu.memref_slice %arg5[%multiple_of3A_53, %dma_wait3A_486] : memref<100000x64xf32, #tpu.memory_space<hbm>> -> memref<200x64xf32, #tpu.memory_space<hbm>>
    %dma_wait3A_488 = arith.constant 0 : i32
    %dma_wait3A_489 = tpu.memref_slice %arg5[%multiple_of3A_53, %dma_wait3A_488] : memref<100000x64xf32, #tpu.memory_space<hbm>> -> memref<200x64xf32, #tpu.memory_space<hbm>>
    %dma_wait3A_490 = arith.constant 0 : i32
    %dma_wait3A_491 = arith.constant 0 : i32
    %dma_wait3A_492 = tpu.memref_slice %arg6[%dma_wait3A_481, %dma_wait3A_490, %dma_wait3A_491] : memref<4x200x64xf32, #tpu.memory_space<vmem>> -> memref<1x200x64xf32, #tpu.memory_space<vmem>>
    %dma_wait3A_493 = tpu.memref_squeeze %dma_wait3A_492 : memref<1x200x64xf32, #tpu.memory_space<vmem>> -> memref<200x64xf32, #tpu.memory_space<vmem>>
    tpu.wait_dma2 semaphore(%arg14 : memref<!tpu.dma_semaphore, #tpu.memory_space<semaphore_mem>>) src(%dma_wait3A_493 : memref<200x64xf32, #tpu.memory_space<vmem>>) dst(%dma_wait3A_489 : memref<200x64xf32, #tpu.memory_space<hbm>>)
    %dma_wait3A_494 = arith.constant 0 : i32
    %dma_wait3A_495 = arith.constant 0 : i32
    %dma_wait3A_496 = arith.constant 0 : i32
    %dma_wait3A_497 = tpu.memref_slice %arg6[%dma_wait3A_494, %dma_wait3A_495, %dma_wait3A_496] : memref<4x200x64xf32, #tpu.memory_space<vmem>> -> memref<1x200x64xf32, #tpu.memory_space<vmem>>
    %dma_wait3A_498 = tpu.memref_squeeze %dma_wait3A_497 : memref<1x200x64xf32, #tpu.memory_space<vmem>> -> memref<200x64xf32, #tpu.memory_space<vmem>>
    %dma_wait3A_499 = arith.constant 0 : i32
    %dma_wait3A_500 = tpu.memref_slice %arg3[%multiple_of3A_67, %dma_wait3A_499] : memref<100000x64xf32, #tpu.memory_space<hbm>> -> memref<200x64xf32, #tpu.memory_space<hbm>>
    %dma_wait3A_501 = arith.constant 0 : i32
    %dma_wait3A_502 = arith.constant 0 : i32
    %dma_wait3A_503 = tpu.memref_slice %arg6[%dma_wait3A_494, %dma_wait3A_501, %dma_wait3A_502] : memref<4x200x64xf32, #tpu.memory_space<vmem>> -> memref<1x200x64xf32, #tpu.memory_space<vmem>>
    %dma_wait3A_504 = tpu.memref_squeeze %dma_wait3A_503 : memref<1x200x64xf32, #tpu.memory_space<vmem>> -> memref<200x64xf32, #tpu.memory_space<vmem>>
    %dma_wait3A_505 = arith.constant 0 : i32
    %dma_wait3A_506 = tpu.memref_slice %arg3[%multiple_of3A_67, %dma_wait3A_505] : memref<100000x64xf32, #tpu.memory_space<hbm>> -> memref<200x64xf32, #tpu.memory_space<hbm>>
    tpu.wait_dma2 semaphore(%arg8 : memref<!tpu.dma_semaphore, #tpu.memory_space<semaphore_mem>>) src(%dma_wait3A_506 : memref<200x64xf32, #tpu.memory_space<hbm>>) dst(%dma_wait3A_504 : memref<200x64xf32, #tpu.memory_space<vmem>>)
    %dma_start3A_507 = arith.constant 0 : i32
    %dma_start3A_508 = arith.constant 0 : i32
    %dma_start3A_509 = arith.constant 0 : i32
    %dma_start3A_510 = tpu.memref_slice %arg6[%dma_start3A_507, %dma_start3A_508, %dma_start3A_509] : memref<4x200x64xf32, #tpu.memory_space<vmem>> -> memref<1x200x64xf32, #tpu.memory_space<vmem>>
    %dma_start3A_511 = tpu.memref_squeeze %dma_start3A_510 : memref<1x200x64xf32, #tpu.memory_space<vmem>> -> memref<200x64xf32, #tpu.memory_space<vmem>>
    %dma_start3A_512 = arith.constant 0 : i32
    %dma_start3A_513 = tpu.memref_slice %arg5[%multiple_of3A_67, %dma_start3A_512] : memref<100000x64xf32, #tpu.memory_space<hbm>> -> memref<200x64xf32, #tpu.memory_space<hbm>>
    %dma_start3A_514 = arith.constant 0 : i32
    %dma_start3A_515 = tpu.memref_slice %arg5[%multiple_of3A_67, %dma_start3A_514] : memref<100000x64xf32, #tpu.memory_space<hbm>> -> memref<200x64xf32, #tpu.memory_space<hbm>>
    %dma_start3A_516 = arith.constant 0 : i32
    %dma_start3A_517 = arith.constant 0 : i32
    %dma_start3A_518 = tpu.memref_slice %arg6[%dma_start3A_507, %dma_start3A_516, %dma_start3A_517] : memref<4x200x64xf32, #tpu.memory_space<vmem>> -> memref<1x200x64xf32, #tpu.memory_space<vmem>>
    %dma_start3A_519 = tpu.memref_squeeze %dma_start3A_518 : memref<1x200x64xf32, #tpu.memory_space<vmem>> -> memref<200x64xf32, #tpu.memory_space<vmem>>
    tpu.enqueue_dma source(%dma_start3A_519 : memref<200x64xf32, #tpu.memory_space<vmem>>) target(%dma_start3A_515 : memref<200x64xf32, #tpu.memory_space<hbm>>) target_semaphore(%arg12 : memref<!tpu.dma_semaphore, #tpu.memory_space<semaphore_mem>>)
    %dma_wait3A_520 = arith.constant 3 : i32
    %dma_wait3A_521 = arith.constant 0 : i32
    %dma_wait3A_522 = arith.constant 0 : i32
    %dma_wait3A_523 = tpu.memref_slice %arg6[%dma_wait3A_520, %dma_wait3A_521, %dma_wait3A_522] : memref<4x200x64xf32, #tpu.memory_space<vmem>> -> memref<1x200x64xf32, #tpu.memory_space<vmem>>
    %dma_wait3A_524 = tpu.memref_squeeze %dma_wait3A_523 : memref<1x200x64xf32, #tpu.memory_space<vmem>> -> memref<200x64xf32, #tpu.memory_space<vmem>>
    %dma_wait3A_525 = arith.constant 0 : i32
    %dma_wait3A_526 = tpu.memref_slice %arg5[%multiple_of3A_60, %dma_wait3A_525] : memref<100000x64xf32, #tpu.memory_space<hbm>> -> memref<200x64xf32, #tpu.memory_space<hbm>>
    %dma_wait3A_527 = arith.constant 0 : i32
    %dma_wait3A_528 = tpu.memref_slice %arg5[%multiple_of3A_60, %dma_wait3A_527] : memref<100000x64xf32, #tpu.memory_space<hbm>> -> memref<200x64xf32, #tpu.memory_space<hbm>>
    %dma_wait3A_529 = arith.constant 0 : i32
    %dma_wait3A_530 = arith.constant 0 : i32
    %dma_wait3A_531 = tpu.memref_slice %arg6[%dma_wait3A_520, %dma_wait3A_529, %dma_wait3A_530] : memref<4x200x64xf32, #tpu.memory_space<vmem>> -> memref<1x200x64xf32, #tpu.memory_space<vmem>>
    %dma_wait3A_532 = tpu.memref_squeeze %dma_wait3A_531 : memref<1x200x64xf32, #tpu.memory_space<vmem>> -> memref<200x64xf32, #tpu.memory_space<vmem>>
    tpu.wait_dma2 semaphore(%arg15 : memref<!tpu.dma_semaphore, #tpu.memory_space<semaphore_mem>>) src(%dma_wait3A_532 : memref<200x64xf32, #tpu.memory_space<vmem>>) dst(%dma_wait3A_528 : memref<200x64xf32, #tpu.memory_space<hbm>>)
    %lt3A_533 = arith.constant 12 : i32
    %lt3A_534 = arith.cmpi slt, %add3A, %lt3A_533 : i32
    %convert_element_type3A_535 = arith.extui %lt3A_534 : i1 to i32
    %cond3A_536 = arith.constant 1 : i32
    %cond3A_537 = arith.constant 0 : i32
    %cond3A_538 = arith.cmpi ne, %convert_element_type3A_535, %cond3A_537 : i32
    scf.if %cond3A_538 {
      %dma_wait3A_576 = arith.constant 0 : i32
      %dma_wait3A_577 = arith.constant 0 : i32
      %dma_wait3A_578 = tpu.memref_slice %arg6[%cond3A_536, %dma_wait3A_576, %dma_wait3A_577] : memref<4x200x64xf32, #tpu.memory_space<vmem>> -> memref<1x200x64xf32, #tpu.memory_space<vmem>>
      %dma_wait3A_579 = tpu.memref_squeeze %dma_wait3A_578 : memref<1x200x64xf32, #tpu.memory_space<vmem>> -> memref<200x64xf32, #tpu.memory_space<vmem>>
      %dma_wait3A_580 = arith.constant 0 : i32
      %dma_wait3A_581 = tpu.memref_slice %arg3[%multiple_of3A_75, %dma_wait3A_580] : memref<100000x64xf32, #tpu.memory_space<hbm>> -> memref<200x64xf32, #tpu.memory_space<hbm>>
      %dma_wait3A_582 = arith.constant 0 : i32
      %dma_wait3A_583 = arith.constant 0 : i32
      %dma_wait3A_584 = tpu.memref_slice %arg6[%cond3A_536, %dma_wait3A_582, %dma_wait3A_583] : memref<4x200x64xf32, #tpu.memory_space<vmem>> -> memref<1x200x64xf32, #tpu.memory_space<vmem>>
      %dma_wait3A_585 = tpu.memref_squeeze %dma_wait3A_584 : memref<1x200x64xf32, #tpu.memory_space<vmem>> -> memref<200x64xf32, #tpu.memory_space<vmem>>
      %dma_wait3A_586 = arith.constant 0 : i32
      %dma_wait3A_587 = tpu.memref_slice %arg3[%multiple_of3A_75, %dma_wait3A_586] : memref<100000x64xf32, #tpu.memory_space<hbm>> -> memref<200x64xf32, #tpu.memory_space<hbm>>
      tpu.wait_dma2 semaphore(%arg9 : memref<!tpu.dma_semaphore, #tpu.memory_space<semaphore_mem>>) src(%dma_wait3A_587 : memref<200x64xf32, #tpu.memory_space<hbm>>) dst(%dma_wait3A_585 : memref<200x64xf32, #tpu.memory_space<vmem>>)
    } else {
    }
    %lt3A_539 = arith.constant 12 : i32
    %lt3A_540 = arith.cmpi slt, %add3A, %lt3A_539 : i32
    %convert_element_type3A_541 = arith.extui %lt3A_540 : i1 to i32
    %cond3A_542 = arith.constant 1 : i32
    %cond3A_543 = arith.constant 0 : i32
    %cond3A_544 = arith.cmpi ne, %convert_element_type3A_541, %cond3A_543 : i32
    scf.if %cond3A_544 {
      %dma_start3A_576 = arith.constant 0 : i32
      %dma_start3A_577 = arith.constant 0 : i32
      %dma_start3A_578 = tpu.memref_slice %arg6[%cond3A_542, %dma_start3A_576, %dma_start3A_577] : memref<4x200x64xf32, #tpu.memory_space<vmem>> -> memref<1x200x64xf32, #tpu.memory_space<vmem>>
      %dma_start3A_579 = tpu.memref_squeeze %dma_start3A_578 : memref<1x200x64xf32, #tpu.memory_space<vmem>> -> memref<200x64xf32, #tpu.memory_space<vmem>>
      %dma_start3A_580 = arith.constant 0 : i32
      %dma_start3A_581 = tpu.memref_slice %arg5[%multiple_of3A_75, %dma_start3A_580] : memref<100000x64xf32, #tpu.memory_space<hbm>> -> memref<200x64xf32, #tpu.memory_space<hbm>>
      %dma_start3A_582 = arith.constant 0 : i32
      %dma_start3A_583 = tpu.memref_slice %arg5[%multiple_of3A_75, %dma_start3A_582] : memref<100000x64xf32, #tpu.memory_space<hbm>> -> memref<200x64xf32, #tpu.memory_space<hbm>>
      %dma_start3A_584 = arith.constant 0 : i32
      %dma_start3A_585 = arith.constant 0 : i32
      %dma_start3A_586 = tpu.memref_slice %arg6[%cond3A_542, %dma_start3A_584, %dma_start3A_585] : memref<4x200x64xf32, #tpu.memory_space<vmem>> -> memref<1x200x64xf32, #tpu.memory_space<vmem>>
      %dma_start3A_587 = tpu.memref_squeeze %dma_start3A_586 : memref<1x200x64xf32, #tpu.memory_space<vmem>> -> memref<200x64xf32, #tpu.memory_space<vmem>>
      tpu.enqueue_dma source(%dma_start3A_587 : memref<200x64xf32, #tpu.memory_space<vmem>>) target(%dma_start3A_583 : memref<200x64xf32, #tpu.memory_space<hbm>>) target_semaphore(%arg13 : memref<!tpu.dma_semaphore, #tpu.memory_space<semaphore_mem>>)
    } else {
    }
    %dma_wait3A_545 = arith.constant 0 : i32
    %dma_wait3A_546 = arith.constant 0 : i32
    %dma_wait3A_547 = arith.constant 0 : i32
    %dma_wait3A_548 = tpu.memref_slice %arg6[%dma_wait3A_545, %dma_wait3A_546, %dma_wait3A_547] : memref<4x200x64xf32, #tpu.memory_space<vmem>> -> memref<1x200x64xf32, #tpu.memory_space<vmem>>
    %dma_wait3A_549 = tpu.memref_squeeze %dma_wait3A_548 : memref<1x200x64xf32, #tpu.memory_space<vmem>> -> memref<200x64xf32, #tpu.memory_space<vmem>>
    %dma_wait3A_550 = arith.constant 0 : i32
    %dma_wait3A_551 = tpu.memref_slice %arg5[%multiple_of3A_67, %dma_wait3A_550] : memref<100000x64xf32, #tpu.memory_space<hbm>> -> memref<200x64xf32, #tpu.memory_space<hbm>>
    %dma_wait3A_552 = arith.constant 0 : i32
    %dma_wait3A_553 = tpu.memref_slice %arg5[%multiple_of3A_67, %dma_wait3A_552] : memref<100000x64xf32, #tpu.memory_space<hbm>> -> memref<200x64xf32, #tpu.memory_space<hbm>>
    %dma_wait3A_554 = arith.constant 0 : i32
    %dma_wait3A_555 = arith.constant 0 : i32
    %dma_wait3A_556 = tpu.memref_slice %arg6[%dma_wait3A_545, %dma_wait3A_554, %dma_wait3A_555] : memref<4x200x64xf32, #tpu.memory_space<vmem>> -> memref<1x200x64xf32, #tpu.memory_space<vmem>>
    %dma_wait3A_557 = tpu.memref_squeeze %dma_wait3A_556 : memref<1x200x64xf32, #tpu.memory_space<vmem>> -> memref<200x64xf32, #tpu.memory_space<vmem>>
    tpu.wait_dma2 semaphore(%arg12 : memref<!tpu.dma_semaphore, #tpu.memory_space<semaphore_mem>>) src(%dma_wait3A_557 : memref<200x64xf32, #tpu.memory_space<vmem>>) dst(%dma_wait3A_553 : memref<200x64xf32, #tpu.memory_space<hbm>>)
    %dma_wait3A_558 = arith.constant 0 : i32
    %dma_wait3A_559 = tpu.memref_slice %arg2[%mul3A_2, %dma_wait3A_558] : memref<4096x64xf32, #tpu.memory_space<hbm>> -> memref<128x64xf32, #tpu.memory_space<hbm>>
    %dma_wait3A_560 = arith.constant 0 : i32
    %dma_wait3A_561 = tpu.memref_slice %arg2[%mul3A_2, %dma_wait3A_560] : memref<4096x64xf32, #tpu.memory_space<hbm>> -> memref<128x64xf32, #tpu.memory_space<hbm>>
    tpu.wait_dma2 semaphore(%arg16 : memref<!tpu.dma_semaphore, #tpu.memory_space<semaphore_mem>>) src(%dma_wait3A_561 : memref<128x64xf32, #tpu.memory_space<hbm>>) dst(%arg7 : memref<128x64xf32, #tpu.memory_space<vmem>>)
    %dma_start3A_562 = arith.constant 0 : i32
    %dma_start3A_563 = tpu.memref_slice %arg4[%mul3A_2, %dma_start3A_562] : memref<4096x64xf32, #tpu.memory_space<hbm>> -> memref<128x64xf32, #tpu.memory_space<hbm>>
    %dma_start3A_564 = arith.constant 0 : i32
    %dma_start3A_565 = tpu.memref_slice %arg4[%mul3A_2, %dma_start3A_564] : memref<4096x64xf32, #tpu.memory_space<hbm>> -> memref<128x64xf32, #tpu.memory_space<hbm>>
    tpu.enqueue_dma source(%arg7 : memref<128x64xf32, #tpu.memory_space<vmem>>) target(%dma_start3A_565 : memref<128x64xf32, #tpu.memory_space<hbm>>) target_semaphore(%arg16 : memref<!tpu.dma_semaphore, #tpu.memory_space<semaphore_mem>>)
    %lt3A_566 = arith.constant 12 : i32
    %lt3A_567 = arith.cmpi slt, %add3A, %lt3A_566 : i32
    %convert_element_type3A_568 = arith.extui %lt3A_567 : i1 to i32
    %cond3A_569 = arith.constant 1 : i32
    %cond3A_570 = arith.constant 0 : i32
    %cond3A_571 = arith.cmpi ne, %convert_element_type3A_568, %cond3A_570 : i32
    scf.if %cond3A_571 {
      %dma_wait3A_576 = arith.constant 0 : i32
      %dma_wait3A_577 = arith.constant 0 : i32
      %dma_wait3A_578 = tpu.memref_slice %arg6[%cond3A_569, %dma_wait3A_576, %dma_wait3A_577] : memref<4x200x64xf32, #tpu.memory_space<vmem>> -> memref<1x200x64xf32, #tpu.memory_space<vmem>>
      %dma_wait3A_579 = tpu.memref_squeeze %dma_wait3A_578 : memref<1x200x64xf32, #tpu.memory_space<vmem>> -> memref<200x64xf32, #tpu.memory_space<vmem>>
      %dma_wait3A_580 = arith.constant 0 : i32
      %dma_wait3A_581 = tpu.memref_slice %arg5[%multiple_of3A_75, %dma_wait3A_580] : memref<100000x64xf32, #tpu.memory_space<hbm>> -> memref<200x64xf32, #tpu.memory_space<hbm>>
      %dma_wait3A_582 = arith.constant 0 : i32
      %dma_wait3A_583 = tpu.memref_slice %arg5[%multiple_of3A_75, %dma_wait3A_582] : memref<100000x64xf32, #tpu.memory_space<hbm>> -> memref<200x64xf32, #tpu.memory_space<hbm>>
      %dma_wait3A_584 = arith.constant 0 : i32
      %dma_wait3A_585 = arith.constant 0 : i32
      %dma_wait3A_586 = tpu.memref_slice %arg6[%cond3A_569, %dma_wait3A_584, %dma_wait3A_585] : memref<4x200x64xf32, #tpu.memory_space<vmem>> -> memref<1x200x64xf32, #tpu.memory_space<vmem>>
      %dma_wait3A_587 = tpu.memref_squeeze %dma_wait3A_586 : memref<1x200x64xf32, #tpu.memory_space<vmem>> -> memref<200x64xf32, #tpu.memory_space<vmem>>
      tpu.wait_dma2 semaphore(%arg13 : memref<!tpu.dma_semaphore, #tpu.memory_space<semaphore_mem>>) src(%dma_wait3A_587 : memref<200x64xf32, #tpu.memory_space<vmem>>) dst(%dma_wait3A_583 : memref<200x64xf32, #tpu.memory_space<hbm>>)
    } else {
    }
    %dma_wait3A_572 = arith.constant 0 : i32
    %dma_wait3A_573 = tpu.memref_slice %arg4[%mul3A_2, %dma_wait3A_572] : memref<4096x64xf32, #tpu.memory_space<hbm>> -> memref<128x64xf32, #tpu.memory_space<hbm>>
    %dma_wait3A_574 = arith.constant 0 : i32
    %dma_wait3A_575 = tpu.memref_slice %arg4[%mul3A_2, %dma_wait3A_574] : memref<4096x64xf32, #tpu.memory_space<hbm>> -> memref<128x64xf32, #tpu.memory_space<hbm>>
    tpu.wait_dma2 semaphore(%arg16 : memref<!tpu.dma_semaphore, #tpu.memory_space<semaphore_mem>>) src(%arg7 : memref<128x64xf32, #tpu.memory_space<vmem>>) dst(%dma_wait3A_575 : memref<128x64xf32, #tpu.memory_space<hbm>>)
    return
  }
}

module attributes {stable_mosaic.version = 14 : i64} {
  func.func @_tc_head_copy(%arg0: i32, %arg1: memref<2000x64xf32, #tpu.memory_space<vmem>>, %arg2: memref<2000x64xf32, #tpu.memory_space<vmem>>) attributes {dimension_semantics = [#tpu.dimension_semantics<arbitrary>], iteration_bounds = array<i64: 20>, scalar_prefetch = 0 : i64, scratch_operands = 0 : i64, tpu.core_type = #tpu.core_type<tc>, window_params = [{transform_indices = @transform_0, window_bounds = array<i64: 2000, 64>}, {transform_indices = @transform_1, window_bounds = array<i64: 2000, 64>}]} {
    %get3A = arith.constant 0 : index
    %get3A_0 = arith.constant 0 : index
    %get3A_1 = vector.load %arg1[%get3A, %get3A_0] : memref<2000x64xf32, #tpu.memory_space<vmem>>, vector<2000x64xf32>
    %swap3A = arith.constant 0 : index
    %swap3A_2 = arith.constant 0 : index
    %swap3A_3 = vector.load %arg2[%swap3A, %swap3A_2] : memref<2000x64xf32, #tpu.memory_space<vmem>>, vector<2000x64xf32>
    tpu.vector_store %arg2[%swap3A, %swap3A_2], %get3A_1 {strides = array<i32>} : memref<2000x64xf32, #tpu.memory_space<vmem>>, vector<2000x64xf32>,
    return
  }
  func.func @transform_0(%arg0: i32) -> (i32, i32) {
    %c0_i32 = arith.constant 0 : i32
    %c0_i32_0 = arith.constant 0 : i32
    return %arg0, %c0_i32 : i32, i32
  }
  func.func @transform_1(%arg0: i32) -> (i32, i32) {
    %c0_i32 = arith.constant 0 : i32
    %c0_i32_0 = arith.constant 0 : i32
    return %arg0, %c0_i32 : i32, i32
  }
}

</mosaic_0001>

<sc_bundles>
// kernel: kernel.4.cloned.1.call-start
scs
__scs_entry_jumppad:
0x0: {  	(pc) =	sbr.rel $0x88, $3  }
0x1: {  	(tag) =	ssettag $0x0;
	lr =	simm.s32 $0x1  }
0x2: {  	[smem:$0x3F9F] =	sst lr;
	_ =	strace $0xD0000000  }
0x3: {  	_ = 	snop  }
0x4: {  	_ = 	snop  }
0x5: {  	_ = 	snop  }
0x6: {  	_ = 	snop  }
0x7: {  	_ = 	snop  }
__scs_overlays_trampoline_lowered:
0x8: {  	[smem:$0x3FAE] =	sst s0  }
0x9: {  	[smem:$0x3FAF] =	sst s1  }
0xa: {  	[smem:$0x3FB0] =	sst s2  }
0xb: {  	[smem:$0x3FB1] =	sst s3  }
0xc: {  	[smem:$0x3FB2] =	sst s4  }
0xd: {  	[smem:$0x3FB3] =	sst s5  }
0xe: {  	[smem:$0x3FB4] =	sst s6  }
0xf: {  	[smem:$0x3FB5] =	sst s7  }
0x10: {  	[smem:$0x3FB6] =	sst s8  }
0x11: {  	[smem:$0x3FB7] =	sst s9;
	s0 =	simm.s32 @!p0 $0x0  }
0x12: {  	s1 =	sld [smem:$0x3F9D];
	s0 =	simm.s32 @p0 $0x1  }
0x13: {  	[smem:$0x3FB8] =	sst s0;
	s0 =	simm.s32 @!p1 $0x0  }
0x14: {  	s2 =	sld [smem:$0x3F9C];
	s0 =	simm.s32 @p1 $0x1  }
0x15: {  	[smem:$0x3FB9] =	sst s0;
	s0 =	simm.s32 @!p2 $0x0  }
0x16: {  	s3 =	sld [smem:$0x3FDB];
	s0 =	simm.s32 @p2 $0x1  }
0x17: {  	s4 =	simm.s32 $0x1BF5;
	[smem:$0x3FBB] =	sst s0  }
0x18: {  	s0 =	sld [smem:$0x3F9E];
	_ =	swait.ge [sflag:s4], $0x0  }
0x19: {  	s7 =	sld [smem:$0x3F9F]  }
0x1a: {  	s8 =	sadd.s32 $0xFFFFE003, lr  }
0x1b: {  	s9 =	sadd.s32 $0xFFFFFEF7, lr;
	s5 =	simm.s32 $0xFFFFFFFF;
	p2 =	slt.u32 s8, $0xFFFFF086  }
0x1c: {  	p1 =	slt.u32 s9, $0xF7A;
	s5 =	simm.s32 @!p2 $0x0  }
0x1d: {  	s5 =	simm.s32 @p1 $0x1;
	p0 =	seq.s32 s7, s2  }
0x1e: {  	s7 =	smul.u32 @!p0 $0xF7A, s2;
	p2 =	seq.s32 @!p0 s5, $0x0  }
0x1f: {  	s9 =	smul.u32 $0xF7A, s1;
	s8 =	simm.s32 @!p0 $0x1BF5;
	p2 =	por !p2, p0  }
0x20: {  	[sflag:s8] =	ssyncset.s32 @!p0 $0xFFFFF086;
	s6 =	sadd.s32 @!p0 s3, s7;
	s7 =	simm.s32 @!p0 $0x108  }
0x21: {  	s3 =	sadd.s32 s3, s9;
	s6 =	sadd.s32 @!p0 $0x88, s6;
	s7 =	simm.s32 @p2 $0x1082  }
0x22: {  	[simem:s7], [sflag:s8] =	dma.local @!p0 [hbm:s6], $0xF7A  }
0x23: {  	s9 =	sor.u32 $0xD0000000, s2;
	s6 =	simm.s32 $0x108;
	_ =	swait.ge @!p0 [sflag:s8], $0x0  }
0x24: {  	s3 =	sadd.s32 $0x88, s3;
	s6 =	simm.s32 @!p1 $0x1082;
	[sflag:s4] =	ssyncset.s32 $0xFFFFF086  }
0x25: {  	[simem:s6], [sflag:s4] =	dma.local [hbm:s3], $0xF7A  }
0x26: {  	[smem:$0x3F9F] =	sst s1;
	(tag) =	ssettag s2;
	_ =	strace s9  }
0x27: {  	s1 =	sld [smem:$0x3FAF]  }
0x28: {  	s2 =	sld [smem:$0x3FB0]  }
0x29: {  	s4 =	sld [smem:$0x3FB2]  }
0x2a: {  	p0 =	seq.s32 s5, $0x0;
	s5 =	sld [smem:$0x3FB3]  }
0x2b: {  	s6 =	sld [smem:$0x3FB4]  }
0x2c: {  	s7 =	sld [smem:$0x3FB5]  }
0x2d: {  	s3 =	simm.s32 $0x108;
	s8 =	sld [smem:$0x3FB6]  }
0x2e: {  	s3 =	simm.s32 @!p0 $0x1082;
	s9 =	sld [smem:$0x3FB7]  }
0x2f: {  	lr =	sadd.s32 s0, s3;
	s0 =	sld [smem:$0x3FAE]  }
0x30: {  	s3 =	sld [smem:$0x3FB1]  }
0x31: {  	[smem:$0x3FBA] =	sst s10  }
0x32: {  	s10 =	sld [smem:$0x3FB8];
	_ =	sdelay $0x3  }
0x33: {  	p0 =	seq.s32 s10, $0x1;
	s10 =	sld [smem:$0x3FBA];
	_ =	sdelay $0x3  }
0x34: {  	[smem:$0x3FBA] =	sst s10  }
0x35: {  	s10 =	sld [smem:$0x3FB9];
	_ =	sdelay $0x3  }
0x36: {  	p1 =	seq.s32 s10, $0x1;
	s10 =	sld [smem:$0x3FBA];
	_ =	sdelay $0x3  }
0x37: {  	[smem:$0x3FBA] =	sst s10  }
0x38: {  	s10 =	sld [smem:$0x3FBB]  }
0x39: {  	_ = 	snop;
	(pc) =	sbr.ind lr, $3  }
0x3a: {  	_ = 	snop  }
0x3b: {  	_ = 	snop  }
0x3c: {  	p2 =	seq.s32 s10, $0x1;
	s10 =	sld [smem:$0x3FBA]  }
0x3d: {  	_ =	shalt  }
0x3e: {  	_ =	shalt  }
0x3f: {  	_ =	shalt  }
0x40: {  	_ =	shalt  }
0x41: {  	_ =	shalt  }
0x42: {  	_ =	shalt  }
0x43: {  	_ =	shalt  }
0x44: {  	_ =	shalt  }
0x45: {  	_ =	shalt  }
0x46: {  	_ =	shalt  }
0x47: {  	_ =	shalt  }
0x48: {  	_ =	shalt  }
0x49: {  	_ =	shalt  }
0x4a: {  	_ =	shalt  }
0x4b: {  	_ =	shalt  }
0x4c: {  	_ =	shalt  }
0x4d: {  	_ =	shalt  }
0x4e: {  	_ =	shalt  }
0x4f: {  	_ =	shalt  }
0x50: {  	_ =	shalt  }
0x51: {  	_ =	shalt  }
0x52: {  	_ =	shalt  }
0x53: {  	_ =	shalt  }
0x54: {  	_ =	shalt  }
0x55: {  	_ =	shalt  }
0x56: {  	_ =	shalt  }
0x57: {  	_ =	shalt  }
0x58: {  	_ =	shalt  }
0x59: {  	_ =	shalt  }
0x5a: {  	_ =	shalt  }
0x5b: {  	_ =	shalt  }
0x5c: {  	_ =	shalt  }
0x5d: {  	_ =	shalt  }
0x5e: {  	_ =	shalt  }
0x5f: {  	_ =	shalt  }
0x60: {  	_ =	shalt  }
0x61: {  	_ =	shalt  }
0x62: {  	_ =	shalt  }
0x63: {  	_ =	shalt  }
0x64: {  	_ =	shalt  }
0x65: {  	_ =	shalt  }
0x66: {  	_ =	shalt  }
0x67: {  	_ =	shalt  }
0x68: {  	_ =	shalt  }
0x69: {  	_ =	shalt  }
0x6a: {  	_ =	shalt  }
0x6b: {  	_ =	shalt  }
0x6c: {  	_ =	shalt  }
0x6d: {  	_ =	shalt  }
0x6e: {  	_ =	shalt  }
0x6f: {  	_ =	shalt  }
0x70: {  	_ =	shalt  }
0x71: {  	_ =	shalt  }
0x72: {  	_ =	shalt  }
0x73: {  	_ =	shalt  }
0x74: {  	_ =	shalt  }
0x75: {  	_ =	shalt  }
0x76: {  	_ =	shalt  }
0x77: {  	_ =	shalt  }
0x78: {  	_ =	shalt  }
0x79: {  	_ =	shalt  }
0x7a: {  	_ =	shalt  }
0x7b: {  	_ =	shalt  }
0x7c: {  	_ =	shalt  }
0x7d: {  	_ =	shalt  }
0x7e: {  	_ =	shalt  }
0x7f: {  	_ =	shalt  }
0x80: {  	_ =	shalt  }
0x81: {  	_ =	shalt  }
0x82: {  	_ =	shalt  }
0x83: {  	_ =	shalt  }
0x84: {  	_ =	shalt  }
0x85: {  	_ =	shalt  }
0x86: {  	_ =	shalt  }
0x87: {  	_ =	shalt  }
.Lfunc_end0:
.L_simem_size_0:
called_computation_lowered:
.L_overlay_start_0:
0x88: {  	s2 =	sld [smem:$0x3FD9]  }
0x89: {  	s3 =	sld [smem:$0x3FFE];
	_ =	sdelay $0x1  }
0x8a: {  	s1 =	srdreg.scid  }
0x8b: {  	s0 =	sand.u32 $0x1, s1  }
0x8c: {  	s14 =	sshll.u32 s0, $0xA;
	s2 =	sadd.s32 s3, s2  }
0x8d: {  	s2 =	sadd.s32 s2, s14  }
0x8e: {  	[smem:$0x3FC6] =	sst s2  }
0x8f: {  	_ = 	snop  }
0x90: {  	s2 =	sld [smem:$0x3FD0];
	_ =	sdelay $0x2  }
0x91: {  	s15 =	simm.s32 $0xA;
	s4 =	simm.s32 $0x10  }
0x92: {  	[smem:s4], [sflag:s15] =	dma.local [hbm:s2], $0x1  }
0x93: {  	_ =	swait.eq [sflag:s15], $0x1  }
0x94: {  	[sflag:s15] =	ssyncset.done $0x0  }
0x95: {  	[sflag:s15] =	ssyncadd.s32 $0xFFFFFFFF  }
0x96: {  	s16 =	sld [smem:$0x11];
	(tm) =	ssettm $0x1  }
0x97: {  	s17 =	sld [smem:$0x3FFB];
	_ =	sdelay $0x3  }
0x98: {  	_ =	strace s17  }
0x99: {  	s3 =	sld [smem:$0x3FFC];
	_ =	sdelay $0x3  }
0x9a: {  	_ =	strace s3  }
0x9b: {  	s3 =	sld [smem:$0x3FFD];
	_ =	sdelay $0x3  }
0x9c: {  	_ =	strace s3  }
0x9d: {  	_ =	strace $0x8FFFFFFF  }
0x9e: {  	s18 =	sld [smem:$0x3FDB];
	_ =	sdelay $0x1  }
0x9f: {  	s19 =	simm.s32 $_scs_section_size  }
0xa0: {  	s5 =	simm.s32 $_size__tile_overlayer_lowered;
	s6 =	simm.s32 $_tile_overlayer_lowered  }
0xa1: {  	s22 =	simm.s32 $0x1BFF;
	s21 =	sshll.u32 s6, $0x1;
	s3 =	sadd.s32 s19, s18  }
0xa2: {  	s7 =	simm.s32 $0x0;
	s20 =	sshll.u32 s5, $0x1;
	s5 =	sadd.s32 s21, s3  }
0xa3: {  	[timem:s7], [sflag:s22] =	dma.local [hbm:s5], s20  }
0xa4: {  	_ =	swait.ge [sflag:s22], s20  }
0xa5: {  	s4 =	ssub.s32 $0x0, s20;
	[sflag:s22] =	ssyncset.done $0x0  }
0xa6: {  	[sflag:s22] =	ssyncadd.s32 s4;
	_ =	sdelay $0x1  }
0xa7: {  	s23 =	simm.s32 $0x1B8B  }
0xa8: {  	_ =	swait.ge [sflag:s23], $0x1  }
0xa9: {  	[sflag:s23] =	ssyncset.done $0x0  }
0xaa: {  	s25 =	simm.s32 $0x1B8E;
	s24 =	sld [smem:$0x3FFE];
	[sflag:s23] =	ssyncadd.s32 $0xFFFFFFFF  }
0xab: {  	s26 =	simm.s32 $execute0_lowered;
	[smem:$0x3FD2] =	sst s25  }
0xac: {  	s5 =	sshll.u32 s26, $0x1;
	_ =	strace $0x80000046;
	[dreg:$0x1] =	wrdreg $0xFFFFFFFF  }
0xad: {  	s28 =	simm.s32 $_size_execute0_lowered;
	s3 =	sadd.s32 s3, s5;
	[dreg:$0x0] =	wrdreg $0x0  }
0xae: {  	s5 =	sshll.u32 s28, $0x1;
	[dreg:$0x2] =	wrdreg s3  }
0xaf: {  	[dreg:$0x3] =	wrdreg s5  }
0xb0: {  	[dreg:$0x4] =	wrdreg $0xC0  }
0xb1: {  	_ =	task [dreg:s7], $0x5FFFF  }
0xb2: {  	[dreg:$0x1] =	wrdreg $0xFFFFFFFF  }
0xb3: {  	[dreg:$0x0] =	wrdreg $0x60  }
0xb4: {  	[dreg:$0x2] =	wrdreg s16  }
0xb5: {  	[dreg:$0x3] =	wrdreg s24  }
0xb6: {  	[dreg:$0x4] =	wrdreg $0x9  }
0xb7: {  	_ =	task.clear_ibuf [dreg:s7], $0x5FFFF;
	_ =	strace $0x90000046  }
0xb8: {  	s29 =	simm.s32 $0x9;
	_ =	strace $0x80000048  }
0xb9: {  	_ =	swait.ge [sflag:s29], $0x1  }
0xba: {  	[sflag:s29] =	ssyncadd.s32 $0xFFFFFFFF  }
0xbb: {  	_ =	strace $0x90000048  }
0xbc: {  	_ =	sfence  }
0xbd: {  	s30 =	sld [smem:$0x0];
	_ =	sdelay $0x2  }
0xbe: {  	s31 =	sshll.u32 s1, $0xD;
	s1 =	sshrl.u32 s1, $0x2  }
0xbf: {  	s3 =	sand.u32 $0x4000, s31;
	s1 =	sadd.s32 s1, s30  }
0xc0: {  	s0 =	sor.u32 s3, s0;
	s1 =	sshll.u32 s1, $0x11  }
0xc1: {  	s0 =	sor.u32 s1, s0  }
0xc2: {  	s0 =	sadd.s32 $0x8F2B, s0  }
0xc3: {  	[sflag:s0] =	ssyncadd.remote.s32 $0x1  }
0xc4: {  	_ =	sfence.sel $0xFFFF  }
0xc5: {  	[dreg:$0x0] =	wrdreg $0xFFFFFFFF;
	(pc) =	sbr.abs _section_cstart, $3  }
0xc6: {  	[dreg:$0x1] =	wrdreg $0xFFFFFFFF  }
0xc7: {  	_ =	task.clear_ibuf [dreg:s7], $0x2FFFF;
	_ =	strace $0x9FFFFFFF  }
0xc8: {  	(tm) =	ssettm $0x7FFFFFFF  }
0xc9: {  	_ =	shalt  }
tec
execute0_lowered:
.L_overlay_start_1:
0x0: {  	(tag) =	ssettag $0x1  }
0x1: {  	s1 =	rddreg [dreg:$0x0]  }
0x2: {  	s0 =	srdreg.scid;
	s3 =	rddreg [dreg:$0x1]  }
0x3: {  	s22 =	stileid.u32;
	s23 =	rddreg [dreg:$0x2];
	p1 =	por $0x0, $0x0  }
0x4: {  	s0 =	sand.u32 $0x1, s0;
	s2 =	sshll.u32 s22, $0x1;
	s7 =	sadd.s32 $0x800, s3  }
0x5: {  	s11 =	sadd.s32 $0x197200, s3;
	p0 =	sgt.u32 s22, $0x5;
	s4 =	sor.u32 s0, s2  }
0x6: {  	s2 =	simm.s32 $0x0;
	s0 =	ssub.s32 $0x2, s0;
	s5 =	smul.u32 $0x6400, s4  }
0x7: {  	[smem:$0x7FF] =	sst s2;
	s6 =	sshll.u32 s4, $0xB;
	s4 =	smin.u32 s4, $0xB  }
0x8: {  	_ =	strace $0x80000047;
	s1 =	sadd.s32 s1, s6;
	s3 =	sadd.s32 s6, s3  }
0x9: {  	s4 =	smul.u32 $0xC80, s4;
	s5 =	sshrl.u32 s5, $0x3;
	[dreg:$0x3] =	wrdreg s1  }
0xa: {  	s3 =	sadd.s32 $0x187200, s3;
	s1 =	simm.s32 $0x19000;
	s8 =	sadd.s32 $0x9C400, s5  }
0xb: {  	s9 =	sadd.s32 $0xB5400, s5;
	s28 =	rddreg [dreg:$0x3];
	s24 =	sadd.s32 s7, s8  }
0xc: {  	s10 =	sadd.s32 $0xCE400, s5;
	s25 =	sadd.s32 s7, s9;
	[dreg:$0x4] =	wrdreg s24  }
0xd: {  	s30 =	sadd.s32 $0xE7400, s5;
	s26 =	sadd.s32 s7, s10;
	[dreg:$0x5] =	wrdreg s25  }
0xe: {  	s13 =	sadd.s32 $0x100400, s5;
	s29 =	sadd.s32 s11, s8;
	[dreg:$0x6] =	wrdreg s26  }
0xf: {  	s16 =	sadd.s32 $0x119400, s5;
	s31 =	sadd.s32 s7, s30;
	[dreg:$0x7] =	wrdreg s29  }
0x10: {  	s19 =	sadd.s32 $0x132400, s5;
	s12 =	sadd.s32 s11, s9;
	[dreg:$0x8] =	wrdreg s31  }
0x11: {  	s14 =	sadd.s32 s7, s13;
	s15 =	sadd.s32 s11, s10;
	[dreg:$0x9] =	wrdreg s12  }
0x12: {  	s17 =	sadd.s32 s7, s16;
	s18 =	sadd.s32 s11, s30;
	[dreg:$0xa] =	wrdreg s14  }
0x13: {  	s20 =	sadd.s32 s7, s19;
	s21 =	sadd.s32 s11, s13;
	[dreg:$0xb] =	wrdreg s15  }
0x14: {  	s10 =	sadd.s32 s11, s19;
	s9 =	simm.s32 $0x1;
	[dreg:$0xc] =	wrdreg s17  }
0x15: {  	s19 =	simm.s32 $0x5;
	s13 =	simm.s32 $0x7;
	[dreg:$0xd] =	wrdreg s18  }
0x16: {  	[dreg:$0xe] =	wrdreg s20;
	s24 =	sadd.s32 $0x14B400, s5;
	s26 =	sshrl.u32 s0, $0x1  }
0x17: {  	[dreg:$0xf] =	wrdreg s21;
	s29 =	sadd.s32 s11, s16;
	s0 =	ssub.s32 s0, s26  }
0x18: {  	s5 =	sadd.s32 $0x164400, s5;
	s31 =	sadd.s32 $0x17D400, s4;
	s0 =	smax.u32 s0, $0x1  }
0x19: {  	s18 =	simm.s32 $0x6400;
	s15 =	simm.s32 $0xC800;
	s21 =	sadd.s32 $0xFFFFFFFF, s0  }
0x1a: {  	s12 =	simm.s32 $0x12C00;
	s20 =	simm.s32 $0x2;
	p2 =	sne.s32 s21, $0x0  }
.Ltmp0:
0x1b: {  	s17 =	simm.s32 $0x3;
	s16 =	simm.s32 $0x6;
	(pc) =	sbr.rel @!p2 .LBB2_5-.Ltmp0, $4  }
0x1c: {  	s14 =	simm.s32 $0x4;
	s25 =	sadd.s32 s7, s24;
	[dreg:$0x11] =	wrdreg s29  }
0x1d: {  	s30 =	sadd.s32 s7, s5;
	s8 =	sadd.s32 s7, s31;
	s7 =	sadd.s32 s11, s24  }
0x1e: {  	s6 =	sadd.s32 s11, s5;
	s4 =	sadd.s32 s11, s31;
	[dreg:$0x10] =	wrdreg s25  }
0x1f: {  	s11 =	simm.s32 $0x8;
	s5 =	simm.s32 $0x9;
	[dreg:$0x12] =	wrdreg s30  }
0x20: {  	[tilespmem:s1], [sflag:$0x9] =	stream.linear.gather [hbm4b:s28+s2], $0x4000, $0x38;
	[tilespmem:$0x1D000] =	vst v63  }
0x21: {  	s0 =	rddreg [dreg:$0x4]  }
0x22: {  	[tilespmem:s2], [sflag:$0x1] =	stream.linear.gather [hbm4b:s0+s2], $0x6400, $0x38;
	[tilespmem:$0x1D000] =	vst v63  }
0x23: {  	s29 =	rddreg [dreg:$0x5]  }
0x24: {  	[tilespmem:s18], [sflag:$0x2] =	stream.linear.gather [hbm4b:s29+s2], $0x6400, $0x38;
	[tilespmem:$0x1D000] =	vst v63  }
0x25: {  	s22 =	rddreg [dreg:$0x6]  }
0x26: {  	[tilespmem:s15], [sflag:$0x3] =	stream.linear.gather [hbm4b:s22+s2], $0x6400, $0x38;
	[tilespmem:$0x1D000] =	vst v63  }
0x27: {  	_ =	swait.ge [sflag:s9], $0x6400  }
0x28: {  	[sflag:s9] =	ssyncset.done $0x0  }
0x29: {  	s23 =	rddreg [dreg:$0x7];
	[sflag:s9] =	ssyncadd.s32 $0xFFFF9C00  }
0x2a: {  	[hbm4b:s23+s2] =	stream.linear.scatter [tilespmem:s2], [sflag:$0x5], $0x6400, $0x38;
	[tilespmem:$0x1D000] =	vst v63  }
0x2b: {  	s24 =	rddreg [dreg:$0x8]  }
0x2c: {  	[tilespmem:s12], [sflag:$0x4] =	stream.linear.gather [hbm4b:s24+s2], $0x6400, $0x38;
	[tilespmem:$0x1D000] =	vst v63  }
0x2d: {  	_ =	swait.ge [sflag:s20], $0x6400  }
0x2e: {  	[sflag:s20] =	ssyncset.done $0x0  }
0x2f: {  	s25 =	rddreg [dreg:$0x9];
	[sflag:s20] =	ssyncadd.s32 $0xFFFF9C00  }
0x30: {  	[hbm4b:s25+s2] =	stream.linear.scatter [tilespmem:s18], [sflag:$0x6], $0x6400, $0x38;
	[tilespmem:$0x1D000] =	vst v63  }
0x31: {  	_ =	swait.ge [sflag:s19], $0x6400  }
0x32: {  	[sflag:s19] =	ssyncset.done $0x0  }
0x33: {  	s26 =	rddreg [dreg:$0xa];
	[sflag:s19] =	ssyncadd.s32 $0xFFFF9C00  }
0x34: {  	[tilespmem:s2], [sflag:$0x1] =	stream.linear.gather [hbm4b:s26+s2], $0x6400, $0x38;
	[tilespmem:$0x1D000] =	vst v63  }
0x35: {  	_ =	swait.ge [sflag:s17], $0x6400  }
0x36: {  	[sflag:s17] =	ssyncset.done $0x0  }
0x37: {  	s29 =	rddreg [dreg:$0xb];
	[sflag:s17] =	ssyncadd.s32 $0xFFFF9C00  }
0x38: {  	[hbm4b:s29+s2] =	stream.linear.scatter [tilespmem:s15], [sflag:$0x7], $0x6400, $0x38;
	[tilespmem:$0x1D000] =	vst v63  }
0x39: {  	_ =	swait.ge [sflag:s16], $0x6400  }
0x3a: {  	[sflag:s16] =	ssyncset.done $0x0  }
0x3b: {  	s1 =	rddreg [dreg:$0xc];
	[sflag:s16] =	ssyncadd.s32 $0xFFFF9C00  }
0x3c: {  	[tilespmem:s18], [sflag:$0x2] =	stream.linear.gather [hbm4b:s1+s2], $0x6400, $0x38;
	[tilespmem:$0x1D000] =	vst v63  }
0x3d: {  	_ =	swait.ge [sflag:s14], $0x6400  }
0x3e: {  	[sflag:s14] =	ssyncset.done $0x0  }
0x3f: {  	s22 =	rddreg [dreg:$0xd];
	[sflag:s14] =	ssyncadd.s32 $0xFFFF9C00  }
0x40: {  	[hbm4b:s22+s2] =	stream.linear.scatter [tilespmem:s12], [sflag:$0x8], $0x6400, $0x38;
	[tilespmem:$0x1D000] =	vst v63  }
0x41: {  	_ =	swait.ge [sflag:s13], $0x6400  }
0x42: {  	[sflag:s13] =	ssyncset.done $0x0  }
0x43: {  	s23 =	rddreg [dreg:$0xe];
	[sflag:s13] =	ssyncadd.s32 $0xFFFF9C00  }
0x44: {  	[tilespmem:s15], [sflag:$0x3] =	stream.linear.gather [hbm4b:s23+s2], $0x6400, $0x38;
	[tilespmem:$0x1D000] =	vst v63  }
0x45: {  	_ =	swait.ge [sflag:s9], $0x6400  }
0x46: {  	[sflag:s9] =	ssyncset.done $0x0  }
0x47: {  	s24 =	rddreg [dreg:$0xf];
	[sflag:s9] =	ssyncadd.s32 $0xFFFF9C00  }
0x48: {  	[hbm4b:s24+s2] =	stream.linear.scatter [tilespmem:s2], [sflag:$0x5], $0x6400, $0x38;
	[tilespmem:$0x1D000] =	vst v63  }
0x49: {  	_ =	swait.ge [sflag:s11], $0x6400  }
0x4a: {  	[sflag:s11] =	ssyncset.done $0x0  }
0x4b: {  	s25 =	rddreg [dreg:$0x10];
	[sflag:s11] =	ssyncadd.s32 $0xFFFF9C00  }
0x4c: {  	[tilespmem:s12], [sflag:$0x4] =	stream.linear.gather [hbm4b:s25+s2], $0x6400, $0x38;
	[tilespmem:$0x1D000] =	vst v63  }
0x4d: {  	_ =	swait.ge [sflag:s20], $0x6400  }
0x4e: {  	[sflag:s20] =	ssyncset.done $0x0  }
0x4f: {  	s26 =	rddreg [dreg:$0x11];
	[sflag:s20] =	ssyncadd.s32 $0xFFFF9C00  }
0x50: {  	[hbm4b:s26+s2] =	stream.linear.scatter [tilespmem:s18], [sflag:$0x6], $0x6400, $0x38;
	[tilespmem:$0x1D000] =	vst v63  }
0x51: {  	_ =	swait.ge [sflag:s19], $0x6400  }
0x52: {  	[sflag:s19] =	ssyncset.done $0x0  }
0x53: {  	s29 =	rddreg [dreg:$0x12];
	[sflag:s19] =	ssyncadd.s32 $0xFFFF9C00  }
0x54: {  	[tilespmem:s2], [sflag:$0x1] =	stream.linear.gather [hbm4b:s29+s2], $0x6400, $0x38;
	[tilespmem:$0x1D000] =	vst v63  }
0x55: {  	_ =	swait.ge [sflag:s17], $0x6400  }
0x56: {  	[sflag:s17] =	ssyncset.done $0x0  }
0x57: {  	[sflag:s17] =	ssyncadd.s32 $0xFFFF9C00  }
0x58: {  	[hbm4b:s10+s2] =	stream.linear.scatter [tilespmem:s15], [sflag:$0x7], $0x6400, $0x38;
	[tilespmem:$0x1D000] =	vst v63  }
0x59: {  	_ =	swait.ge [sflag:s16], $0x6400  }
0x5a: {  	[sflag:s16] =	ssyncset.done $0x0  }
0x5b: {  	s22 =	simm.s32 @!p0 $0x0;
	s23 =	simm.s32 @!p0 $0x6400;
	[sflag:s16] =	ssyncadd.s32 $0xFFFF9C00  }
0x5c: {  	[tilespmem:s23], [sflag:$0x2] =	stream.linear.gather @!p0 [hbm4b:s8+s22], $0x6400, $0x38;
	[tilespmem:$0x1D000] =	vst v63  }
0x5d: {  	_ =	swait.ge [sflag:s14], $0x6400  }
0x5e: {  	[sflag:s14] =	ssyncset.done $0x0  }
0x5f: {  	[sflag:s14] =	ssyncadd.s32 $0xFFFF9C00  }
0x60: {  	[hbm4b:s7+s2] =	stream.linear.scatter [tilespmem:s12], [sflag:$0x8], $0x6400, $0x38;
	[tilespmem:$0x1D000] =	vst v63  }
0x61: {  	_ =	swait.ge [sflag:s13], $0x6400  }
0x62: {  	[sflag:s13] =	ssyncset.done $0x0  }
0x63: {  	[sflag:s13] =	ssyncadd.s32 $0xFFFF9C00  }
0x64: {  	_ =	swait.ge [sflag:s9], $0x6400  }
0x65: {  	[sflag:s9] =	ssyncset.done $0x0  }
0x66: {  	[sflag:s9] =	ssyncadd.s32 $0xFFFF9C00  }
0x67: {  	[hbm4b:s6+s2] =	stream.linear.scatter [tilespmem:s2], [sflag:$0x5], $0x6400, $0x38;
	[tilespmem:$0x1D000] =	vst v63  }
0x68: {  	_ =	swait.ge [sflag:s11], $0x6400  }
0x69: {  	[sflag:s11] =	ssyncset.done $0x0  }
0x6a: {  	s24 =	simm.s32 @p0 $0x5;
	[sflag:s11] =	ssyncadd.s32 $0xFFFF9C00  }
0x6b: {  	_ =	swait.ge @p0 [sflag:s24], $0x6400  }
0x6c: {  	[sflag:s24] =	ssyncset.done @p0 $0x0  }
0x6d: {  	s25 =	simm.s32 @p0 $0x9;
	[sflag:s24] =	ssyncadd.s32 @p0 $0xFFFF9C00  }
0x6e: {  	_ =	swait.ge @p0 [sflag:s25], $0x4000  }
0x6f: {  	s0 =	simm.s32 @p0 $0x0;
	[sflag:s25] =	ssyncset.done @p0 $0x0  }
0x70: {  	s1 =	simm.s32 @p0 $0x19000;
	s26 =	simm.s32 @!p0 $0x2;
	[sflag:s25] =	ssyncadd.s32 @p0 $0xFFFFC000  }
0x71: {  	[hbm4b:s3+s0] =	stream.linear.scatter @p0 [tilespmem:s1], [sflag:$0x9], $0x4000, $0x38;
	[tilespmem:$0x1D000] =	vst v63  }
0x72: {  	_ =	swait.ge @!p0 [sflag:s26], $0x6400  }
0x73: {  	[sflag:s26] =	ssyncset.done @!p0 $0x0  }
0x74: {  	s30 =	simm.s32 @!p0 $0x5;
	[sflag:s26] =	ssyncadd.s32 @!p0 $0xFFFF9C00  }
0x75: {  	[hbm4b:s4+s22] =	stream.linear.scatter @!p0 [tilespmem:s23], [sflag:$0x6], $0x6400, $0x38;
	[tilespmem:$0x1D000] =	vst v63  }
0x76: {  	_ =	swait.ge @!p0 [sflag:s30], $0x6400  }
0x77: {  	[sflag:s30] =	ssyncset.done @!p0 $0x0  }
0x78: {  	s31 =	simm.s32 @!p0 $0x9;
	[sflag:s30] =	ssyncadd.s32 @!p0 $0xFFFF9C00  }
0x79: {  	s21 =	sadd.s32 $0xFFFFFFFF, s21;
	_ =	swait.ge @!p0 [sflag:s31], $0x4000  }
0x7a: {  	p2 =	sne.s32 s21, $0x0;
	[sflag:s31] =	ssyncset.done @!p0 $0x0  }
0x7b: {  	s1 =	simm.s32 @!p0 $0x19000;
	s0 =	simm.s32 @!p0 $0x6;
	[sflag:s31] =	ssyncadd.s32 @!p0 $0xFFFFC000  }
0x7c: {  	[hbm4b:s3+s22] =	stream.linear.scatter @!p0 [tilespmem:s1], [sflag:$0x9], $0x4000, $0x38;
	[tilespmem:$0x1D000] =	vst v63  }
.Ltmp1:
0x7d: {  	_ =	swait.ge @!p0 [sflag:s0], $0x6400;
	(pc) =	sbr.rel @!p2 .LBB2_2-.Ltmp1, $4  }
0x7e: {  	[sflag:s0] =	ssyncset.done @!p0 $0x0  }
0x7f: {  	[sflag:s0] =	ssyncadd.s32 @!p0 $0xFFFF9C00  }
0x80: {  	_ =	swait.ge [sflag:s5], $0x4000  }
0x81: {  	p1 =	por $0x1, $0x1;
	s28 =	rddreg [dreg:$0x3];
	[sflag:s5] =	ssyncset.done $0x0  }
.LBB2_3:
0x82: {  	[sflag:s5] =	ssyncadd.s32 $0xFFFFC000;
	s1 =	simm.s32 $0x19000  }
0x83: {  	[tilespmem:s1], [sflag:$0x9] =	stream.linear.gather [hbm4b:s28+s2], $0x4000, $0x38;
	[tilespmem:$0x1D000] =	vst v63  }
0x84: {  	s29 =	rddreg [dreg:$0x4]  }
0x85: {  	[tilespmem:s2], [sflag:$0x1] =	stream.linear.gather [hbm4b:s29+s2], $0x6400, $0x38;
	[tilespmem:$0x1D000] =	vst v63  }
0x86: {  	s28 =	rddreg [dreg:$0x5]  }
0x87: {  	[tilespmem:s18], [sflag:$0x2] =	stream.linear.gather [hbm4b:s28+s2], $0x6400, $0x38;
	[tilespmem:$0x1D000] =	vst v63  }
0x88: {  	s1 =	rddreg [dreg:$0x6]  }
0x89: {  	[tilespmem:s15], [sflag:$0x3] =	stream.linear.gather [hbm4b:s1+s2], $0x6400, $0x38;
	[tilespmem:$0x1D000] =	vst v63  }
0x8a: {  	_ =	swait.ge [sflag:s9], $0x6400  }
0x8b: {  	[sflag:s9] =	ssyncset.done $0x0  }
0x8c: {  	s28 =	rddreg [dreg:$0x7];
	[sflag:s9] =	ssyncadd.s32 $0xFFFF9C00  }
0x8d: {  	[hbm4b:s28+s2] =	stream.linear.scatter [tilespmem:s2], [sflag:$0x5], $0x6400, $0x38;
	[tilespmem:$0x1D000] =	vst v63  }
0x8e: {  	s1 =	rddreg [dreg:$0x8]  }
0x8f: {  	[tilespmem:s12], [sflag:$0x4] =	stream.linear.gather [hbm4b:s1+s2], $0x6400, $0x38;
	[tilespmem:$0x1D000] =	vst v63  }
0x90: {  	_ =	swait.ge [sflag:s20], $0x6400  }
0x91: {  	[sflag:s20] =	ssyncset.done $0x0  }
0x92: {  	s28 =	rddreg [dreg:$0x9];
	[sflag:s20] =	ssyncadd.s32 $0xFFFF9C00  }
0x93: {  	[hbm4b:s28+s2] =	stream.linear.scatter [tilespmem:s18], [sflag:$0x6], $0x6400, $0x38;
	[tilespmem:$0x1D000] =	vst v63  }
0x94: {  	_ =	swait.ge [sflag:s19], $0x6400  }
0x95: {  	[sflag:s19] =	ssyncset.done $0x0  }
0x96: {  	s28 =	rddreg [dreg:$0xa];
	[sflag:s19] =	ssyncadd.s32 $0xFFFF9C00  }
0x97: {  	[tilespmem:s2], [sflag:$0x1] =	stream.linear.gather [hbm4b:s28+s2], $0x6400, $0x38;
	[tilespmem:$0x1D000] =	vst v63  }
0x98: {  	_ =	swait.ge [sflag:s17], $0x6400  }
0x99: {  	[sflag:s17] =	ssyncset.done $0x0  }
0x9a: {  	s28 =	rddreg [dreg:$0xb];
	[sflag:s17] =	ssyncadd.s32 $0xFFFF9C00  }
0x9b: {  	[hbm4b:s28+s2] =	stream.linear.scatter [tilespmem:s15], [sflag:$0x7], $0x6400, $0x38;
	[tilespmem:$0x1D000] =	vst v63  }
0x9c: {  	_ =	swait.ge [sflag:s16], $0x6400  }
0x9d: {  	[sflag:s16] =	ssyncset.done $0x0  }
0x9e: {  	s28 =	rddreg [dreg:$0xc];
	[sflag:s16] =	ssyncadd.s32 $0xFFFF9C00  }
0x9f: {  	[tilespmem:s18], [sflag:$0x2] =	stream.linear.gather [hbm4b:s28+s2], $0x6400, $0x38;
	[tilespmem:$0x1D000] =	vst v63  }
0xa0: {  	_ =	swait.ge [sflag:s14], $0x6400  }
0xa1: {  	[sflag:s14] =	ssyncset.done $0x0  }
0xa2: {  	s28 =	rddreg [dreg:$0xd];
	[sflag:s14] =	ssyncadd.s32 $0xFFFF9C00  }
0xa3: {  	[hbm4b:s28+s2] =	stream.linear.scatter [tilespmem:s12], [sflag:$0x8], $0x6400, $0x38;
	[tilespmem:$0x1D000] =	vst v63  }
0xa4: {  	_ =	swait.ge [sflag:s13], $0x6400  }
0xa5: {  	[sflag:s13] =	ssyncset.done $0x0  }
0xa6: {  	s28 =	rddreg [dreg:$0xe];
	[sflag:s13] =	ssyncadd.s32 $0xFFFF9C00  }
0xa7: {  	[tilespmem:s15], [sflag:$0x3] =	stream.linear.gather [hbm4b:s28+s2], $0x6400, $0x38;
	[tilespmem:$0x1D000] =	vst v63  }
0xa8: {  	_ =	swait.ge [sflag:s9], $0x6400  }
0xa9: {  	[sflag:s9] =	ssyncset.done $0x0  }
0xaa: {  	s28 =	rddreg [dreg:$0xf];
	[sflag:s9] =	ssyncadd.s32 $0xFFFF9C00  }
0xab: {  	[hbm4b:s28+s2] =	stream.linear.scatter [tilespmem:s2], [sflag:$0x5], $0x6400, $0x38;
	[tilespmem:$0x1D000] =	vst v63  }
0xac: {  	_ =	swait.ge [sflag:s11], $0x6400  }
0xad: {  	[sflag:s11] =	ssyncset.done $0x0  }
0xae: {  	s28 =	rddreg [dreg:$0x10];
	[sflag:s11] =	ssyncadd.s32 $0xFFFF9C00  }
0xaf: {  	[tilespmem:s12], [sflag:$0x4] =	stream.linear.gather [hbm4b:s28+s2], $0x6400, $0x38;
	[tilespmem:$0x1D000] =	vst v63  }
0xb0: {  	_ =	swait.ge [sflag:s20], $0x6400  }
0xb1: {  	[sflag:s20] =	ssyncset.done $0x0  }
0xb2: {  	s28 =	rddreg [dreg:$0x11];
	[sflag:s20] =	ssyncadd.s32 $0xFFFF9C00  }
0xb3: {  	[hbm4b:s28+s2] =	stream.linear.scatter [tilespmem:s18], [sflag:$0x6], $0x6400, $0x38;
	[tilespmem:$0x1D000] =	vst v63  }
0xb4: {  	_ =	swait.ge [sflag:s19], $0x6400  }
0xb5: {  	[sflag:s19] =	ssyncset.done $0x0  }
0xb6: {  	s28 =	rddreg [dreg:$0x12];
	[sflag:s19] =	ssyncadd.s32 $0xFFFF9C00  }
0xb7: {  	[tilespmem:s2], [sflag:$0x1] =	stream.linear.gather [hbm4b:s28+s2], $0x6400, $0x38;
	[tilespmem:$0x1D000] =	vst v63  }
0xb8: {  	_ =	swait.ge [sflag:s17], $0x6400  }
0xb9: {  	[sflag:s17] =	ssyncset.done $0x0  }
0xba: {  	[sflag:s17] =	ssyncadd.s32 $0xFFFF9C00  }
0xbb: {  	[hbm4b:s10+s2] =	stream.linear.scatter [tilespmem:s15], [sflag:$0x7], $0x6400, $0x38;
	[tilespmem:$0x1D000] =	vst v63  }
0xbc: {  	_ =	swait.ge [sflag:s16], $0x6400  }
0xbd: {  	[sflag:s16] =	ssyncset.done $0x0  }
0xbe: {  	[sflag:s16] =	ssyncadd.s32 $0xFFFF9C00  }
0xbf: {  	[tilespmem:s23], [sflag:$0x2] =	stream.linear.gather @!p0 [hbm4b:s8+s22], $0x6400, $0x38;
	[tilespmem:$0x1D000] =	vst v63  }
0xc0: {  	_ =	swait.ge [sflag:s14], $0x6400  }
0xc1: {  	[sflag:s14] =	ssyncset.done $0x0  }
0xc2: {  	[sflag:s14] =	ssyncadd.s32 $0xFFFF9C00  }
0xc3: {  	[hbm4b:s7+s2] =	stream.linear.scatter [tilespmem:s12], [sflag:$0x8], $0x6400, $0x38;
	[tilespmem:$0x1D000] =	vst v63  }
0xc4: {  	_ =	swait.ge [sflag:s13], $0x6400  }
0xc5: {  	[sflag:s13] =	ssyncset.done $0x0  }
0xc6: {  	[sflag:s13] =	ssyncadd.s32 $0xFFFF9C00  }
0xc7: {  	_ =	swait.ge [sflag:s9], $0x6400  }
0xc8: {  	[sflag:s9] =	ssyncset.done $0x0  }
0xc9: {  	[sflag:s9] =	ssyncadd.s32 $0xFFFF9C00  }
0xca: {  	[hbm4b:s6+s2] =	stream.linear.scatter [tilespmem:s2], [sflag:$0x5], $0x6400, $0x38;
	[tilespmem:$0x1D000] =	vst v63  }
0xcb: {  	_ =	swait.ge [sflag:s11], $0x6400  }
0xcc: {  	[sflag:s11] =	ssyncset.done $0x0  }
0xcd: {  	[sflag:s11] =	ssyncadd.s32 $0xFFFF9C00  }
0xce: {  	_ =	swait.ge @p0 [sflag:s24], $0x6400  }
0xcf: {  	[sflag:s24] =	ssyncset.done @p0 $0x0  }
0xd0: {  	[sflag:s24] =	ssyncadd.s32 @p0 $0xFFFF9C00  }
0xd1: {  	_ =	swait.ge @p0 [sflag:s25], $0x4000  }
0xd2: {  	[sflag:s25] =	ssyncset.done @p0 $0x0  }
0xd3: {  	s1 =	simm.s32 @p0 $0x0;
	s28 =	simm.s32 @p0 $0x19000;
	[sflag:s25] =	ssyncadd.s32 @p0 $0xFFFFC000  }
0xd4: {  	[hbm4b:s3+s1] =	stream.linear.scatter @p0 [tilespmem:s28], [sflag:$0x9], $0x4000, $0x38;
	[tilespmem:$0x1D000] =	vst v63  }
0xd5: {  	_ =	swait.ge @!p0 [sflag:s26], $0x6400  }
0xd6: {  	[sflag:s26] =	ssyncset.done @!p0 $0x0  }
0xd7: {  	[sflag:s26] =	ssyncadd.s32 @!p0 $0xFFFF9C00  }
0xd8: {  	[hbm4b:s4+s22] =	stream.linear.scatter @!p0 [tilespmem:s23], [sflag:$0x6], $0x6400, $0x38;
	[tilespmem:$0x1D000] =	vst v63  }
0xd9: {  	_ =	swait.ge @!p0 [sflag:s30], $0x6400  }
0xda: {  	[sflag:s30] =	ssyncset.done @!p0 $0x0  }
0xdb: {  	[sflag:s30] =	ssyncadd.s32 @!p0 $0xFFFF9C00  }
0xdc: {  	_ =	swait.ge @!p0 [sflag:s31], $0x4000  }
0xdd: {  	s21 =	sadd.s32 $0xFFFFFFFF, s21;
	[sflag:s31] =	ssyncset.done @!p0 $0x0  }
0xde: {  	p2 =	sne.s32 s21, $0x0;
	s1 =	simm.s32 @!p0 $0x19000;
	[sflag:s31] =	ssyncadd.s32 @!p0 $0xFFFFC000  }
0xdf: {  	[hbm4b:s3+s22] =	stream.linear.scatter @!p0 [tilespmem:s1], [sflag:$0x9], $0x4000, $0x38;
	[tilespmem:$0x1D000] =	vst v63  }
.Ltmp2:
0xe0: {  	_ =	swait.ge @!p0 [sflag:s0], $0x6400;
	(pc) =	sbr.rel @p2 .LBB2_3-.Ltmp2, $4  }
0xe1: {  	[sflag:s0] =	ssyncset.done @!p0 $0x0  }
0xe2: {  	[sflag:s0] =	ssyncadd.s32 @!p0 $0xFFFF9C00  }
0xe3: {  	_ =	swait.ge [sflag:s5], $0x4000  }
0xe4: {  	s28 =	rddreg [dreg:$0x3];
	[sflag:s5] =	ssyncset.done $0x0  }
0xe5: {  	s22 =	stileid.u32;
	s23 =	rddreg [dreg:$0x2];
	s1 =	simm.s32 $0x19000  }
.LBB2_5:
0xe6: {  	[sflag:s5] =	ssyncadd.s32 @p1 $0xFFFFC000  }
0xe7: {  	[tilespmem:s1], [sflag:$0x9] =	stream.linear.gather [hbm4b:s28+s2], $0x4000, $0x38;
	[tilespmem:$0x1D000] =	vst v63  }
0xe8: {  	s0 =	rddreg [dreg:$0x4]  }
0xe9: {  	[tilespmem:s2], [sflag:$0x1] =	stream.linear.gather [hbm4b:s0+s2], $0x6400, $0x38;
	[tilespmem:$0x1D000] =	vst v63  }
0xea: {  	s26 =	rddreg [dreg:$0x5]  }
0xeb: {  	[tilespmem:s18], [sflag:$0x2] =	stream.linear.gather [hbm4b:s26+s2], $0x6400, $0x38;
	[tilespmem:$0x1D000] =	vst v63  }
0xec: {  	s28 =	rddreg [dreg:$0x6]  }
0xed: {  	[tilespmem:s15], [sflag:$0x3] =	stream.linear.gather [hbm4b:s28+s2], $0x6400, $0x38;
	[tilespmem:$0x1D000] =	vst v63  }
0xee: {  	_ =	swait.ge [sflag:s9], $0x6400  }
0xef: {  	[sflag:s9] =	ssyncset.done $0x0  }
0xf0: {  	s29 =	rddreg [dreg:$0x7];
	[sflag:s9] =	ssyncadd.s32 $0xFFFF9C00  }
0xf1: {  	[hbm4b:s29+s2] =	stream.linear.scatter [tilespmem:s2], [sflag:$0x5], $0x6400, $0x38;
	[tilespmem:$0x1D000] =	vst v63  }
0xf2: {  	s30 =	rddreg [dreg:$0x8]  }
0xf3: {  	[tilespmem:s12], [sflag:$0x4] =	stream.linear.gather [hbm4b:s30+s2], $0x6400, $0x38;
	[tilespmem:$0x1D000] =	vst v63  }
0xf4: {  	_ =	swait.ge [sflag:s20], $0x6400  }
0xf5: {  	[sflag:s20] =	ssyncset.done $0x0  }
0xf6: {  	s31 =	rddreg [dreg:$0x9];
	[sflag:s20] =	ssyncadd.s32 $0xFFFF9C00  }
0xf7: {  	[hbm4b:s31+s2] =	stream.linear.scatter [tilespmem:s18], [sflag:$0x6], $0x6400, $0x38;
	[tilespmem:$0x1D000] =	vst v63  }
0xf8: {  	_ =	swait.ge [sflag:s19], $0x6400  }
0xf9: {  	[sflag:s19] =	ssyncset.done $0x0  }
0xfa: {  	s1 =	rddreg [dreg:$0xa];
	[sflag:s19] =	ssyncadd.s32 $0xFFFF9C00  }
0xfb: {  	[tilespmem:s2], [sflag:$0x1] =	stream.linear.gather [hbm4b:s1+s2], $0x6400, $0x38;
	[tilespmem:$0x1D000] =	vst v63  }
0xfc: {  	_ =	swait.ge [sflag:s17], $0x6400  }
0xfd: {  	[sflag:s17] =	ssyncset.done $0x0  }
0xfe: {  	s21 =	rddreg [dreg:$0xb];
	[sflag:s17] =	ssyncadd.s32 $0xFFFF9C00  }
0xff: {  	[hbm4b:s21+s2] =	stream.linear.scatter [tilespmem:s15], [sflag:$0x7], $0x6400, $0x38;
	[tilespmem:$0x1D000] =	vst v63  }
0x100: {  	_ =	swait.ge [sflag:s16], $0x6400  }
0x101: {  	[sflag:s16] =	ssyncset.done $0x0  }
0x102: {  	s24 =	rddreg [dreg:$0xc];
	[sflag:s16] =	ssyncadd.s32 $0xFFFF9C00  }
0x103: {  	[tilespmem:s18], [sflag:$0x2] =	stream.linear.gather [hbm4b:s24+s2], $0x6400, $0x38;
	[tilespmem:$0x1D000] =	vst v63  }
0x104: {  	_ =	swait.ge [sflag:s14], $0x6400  }
0x105: {  	[sflag:s14] =	ssyncset.done $0x0  }
0x106: {  	s25 =	rddreg [dreg:$0xd];
	[sflag:s14] =	ssyncadd.s32 $0xFFFF9C00  }
0x107: {  	[hbm4b:s25+s2] =	stream.linear.scatter [tilespmem:s12], [sflag:$0x8], $0x6400, $0x38;
	[tilespmem:$0x1D000] =	vst v63  }
0x108: {  	_ =	swait.ge [sflag:s13], $0x6400  }
0x109: {  	[sflag:s13] =	ssyncset.done $0x0  }
0x10a: {  	s26 =	rddreg [dreg:$0xe];
	[sflag:s13] =	ssyncadd.s32 $0xFFFF9C00  }
0x10b: {  	[tilespmem:s15], [sflag:$0x3] =	stream.linear.gather [hbm4b:s26+s2], $0x6400, $0x38;
	[tilespmem:$0x1D000] =	vst v63  }
0x10c: {  	_ =	swait.ge [sflag:s9], $0x6400  }
0x10d: {  	[sflag:s9] =	ssyncset.done $0x0  }
0x10e: {  	s28 =	rddreg [dreg:$0xf];
	[sflag:s9] =	ssyncadd.s32 $0xFFFF9C00  }
0x10f: {  	[hbm4b:s28+s2] =	stream.linear.scatter [tilespmem:s2], [sflag:$0x5], $0x6400, $0x38;
	[tilespmem:$0x1D000] =	vst v63  }
0x110: {  	_ =	swait.ge [sflag:s11], $0x6400  }
0x111: {  	[sflag:s11] =	ssyncset.done $0x0  }
0x112: {  	s29 =	rddreg [dreg:$0x10];
	[sflag:s11] =	ssyncadd.s32 $0xFFFF9C00  }
0x113: {  	[tilespmem:s12], [sflag:$0x4] =	stream.linear.gather [hbm4b:s29+s2], $0x6400, $0x38;
	[tilespmem:$0x1D000] =	vst v63  }
0x114: {  	_ =	swait.ge [sflag:s20], $0x6400  }
0x115: {  	[sflag:s20] =	ssyncset.done $0x0  }
0x116: {  	s30 =	rddreg [dreg:$0x11];
	[sflag:s20] =	ssyncadd.s32 $0xFFFF9C00  }
0x117: {  	[hbm4b:s30+s2] =	stream.linear.scatter [tilespmem:s18], [sflag:$0x6], $0x6400, $0x38;
	[tilespmem:$0x1D000] =	vst v63  }
0x118: {  	_ =	swait.ge [sflag:s19], $0x6400  }
0x119: {  	[sflag:s19] =	ssyncset.done $0x0  }
0x11a: {  	s31 =	rddreg [dreg:$0x12];
	[sflag:s19] =	ssyncadd.s32 $0xFFFF9C00  }
0x11b: {  	[tilespmem:s2], [sflag:$0x1] =	stream.linear.gather [hbm4b:s31+s2], $0x6400, $0x38;
	[tilespmem:$0x1D000] =	vst v63  }
0x11c: {  	_ =	swait.ge [sflag:s17], $0x6400  }
0x11d: {  	[sflag:s17] =	ssyncset.done $0x0  }
0x11e: {  	[sflag:s17] =	ssyncadd.s32 $0xFFFF9C00  }
0x11f: {  	[hbm4b:s10+s2] =	stream.linear.scatter [tilespmem:s15], [sflag:$0x7], $0x6400, $0x38;
	[tilespmem:$0x1D000] =	vst v63  }
0x120: {  	_ =	swait.ge [sflag:s16], $0x6400  }
0x121: {  	[sflag:s16] =	ssyncset.done $0x0  }
0x122: {  	s0 =	simm.s32 @!p0 $0x0;
	s1 =	simm.s32 @!p0 $0x6400;
	[sflag:s16] =	ssyncadd.s32 $0xFFFF9C00  }
0x123: {  	[tilespmem:s1], [sflag:$0x2] =	stream.linear.gather @!p0 [hbm4b:s8+s0], $0x6400, $0x38;
	[tilespmem:$0x1D000] =	vst v63  }
0x124: {  	_ =	swait.ge [sflag:s14], $0x6400  }
0x125: {  	[sflag:s14] =	ssyncset.done $0x0  }
0x126: {  	[sflag:s14] =	ssyncadd.s32 $0xFFFF9C00  }
0x127: {  	[hbm4b:s7+s2] =	stream.linear.scatter [tilespmem:s12], [sflag:$0x8], $0x6400, $0x38;
	[tilespmem:$0x1D000] =	vst v63  }
0x128: {  	_ =	swait.ge [sflag:s13], $0x6400  }
0x129: {  	[sflag:s13] =	ssyncset.done $0x0  }
0x12a: {  	[sflag:s13] =	ssyncadd.s32 $0xFFFF9C00  }
0x12b: {  	_ =	swait.ge [sflag:s9], $0x6400  }
0x12c: {  	[sflag:s9] =	ssyncset.done $0x0  }
0x12d: {  	[sflag:s9] =	ssyncadd.s32 $0xFFFF9C00  }
0x12e: {  	[hbm4b:s6+s2] =	stream.linear.scatter [tilespmem:s2], [sflag:$0x5], $0x6400, $0x38;
	[tilespmem:$0x1D000] =	vst v63  }
0x12f: {  	_ =	swait.ge [sflag:s11], $0x6400  }
0x130: {  	[sflag:s11] =	ssyncset.done $0x0  }
0x131: {  	s2 =	simm.s32 @p0 $0x5;
	[sflag:s11] =	ssyncadd.s32 $0xFFFF9C00  }
0x132: {  	_ =	swait.ge @p0 [sflag:s2], $0x6400  }
0x133: {  	[sflag:s2] =	ssyncset.done @p0 $0x0  }
0x134: {  	[sflag:s2] =	ssyncadd.s32 @p0 $0xFFFF9C00;
	s2 =	simm.s32 @p0 $0x9  }
0x135: {  	_ =	swait.ge @p0 [sflag:s2], $0x4000  }
0x136: {  	s7 =	simm.s32 @p0 $0x19000;
	[sflag:s2] =	ssyncset.done @p0 $0x0  }
0x137: {  	s6 =	simm.s32 @!p0 $0x2;
	[sflag:s2] =	ssyncadd.s32 @p0 $0xFFFFC000;
	s2 =	simm.s32 @p0 $0x0  }
0x138: {  	[hbm4b:s3+s2] =	stream.linear.scatter @p0 [tilespmem:s7], [sflag:$0x9], $0x4000, $0x38;
	[tilespmem:$0x1D000] =	vst v63  }
0x139: {  	_ =	swait.ge @!p0 [sflag:s6], $0x6400  }
0x13a: {  	[sflag:s6] =	ssyncset.done @!p0 $0x0  }
0x13b: {  	s2 =	simm.s32 @!p0 $0x5;
	[sflag:s6] =	ssyncadd.s32 @!p0 $0xFFFF9C00  }
0x13c: {  	[hbm4b:s4+s0] =	stream.linear.scatter @!p0 [tilespmem:s1], [sflag:$0x6], $0x6400, $0x38;
	[tilespmem:$0x1D000] =	vst v63  }
0x13d: {  	_ =	swait.ge @!p0 [sflag:s2], $0x6400  }
0x13e: {  	[sflag:s2] =	ssyncset.done @!p0 $0x0  }
0x13f: {  	s1 =	simm.s32 @!p0 $0x9;
	[sflag:s2] =	ssyncadd.s32 @!p0 $0xFFFF9C00  }
0x140: {  	_ =	swait.ge @!p0 [sflag:s1], $0x4000  }
0x141: {  	[sflag:s1] =	ssyncset.done @!p0 $0x0  }
0x142: {  	s2 =	simm.s32 @!p0 $0x6;
	[sflag:s1] =	ssyncadd.s32 @!p0 $0xFFFFC000;
	s1 =	simm.s32 @!p0 $0x19000  }
0x143: {  	[hbm4b:s3+s0] =	stream.linear.scatter @!p0 [tilespmem:s1], [sflag:$0x9], $0x4000, $0x38;
	[tilespmem:$0x1D000] =	vst v63  }
0x144: {  	_ =	swait.ge @!p0 [sflag:s2], $0x6400  }
0x145: {  	[sflag:s2] =	ssyncset.done @!p0 $0x0  }
0x146: {  	[sflag:s2] =	ssyncadd.s32 @!p0 $0xFFFF9C00  }
0x147: {  	_ =	swait.ge [sflag:s5], $0x4000  }
0x148: {  	[sflag:s5] =	ssyncset.done $0x0  }
0x149: {  	[sflag:s5] =	ssyncadd.s32 $0xFFFFC000  }
0x14a: {  	_ =	sfence.sel $0x180000  }
0x14b: {  	[bflag:$0x0] =	sbarrier.arrive $0xFFFF  }
0x14c: {  	p0 =	sne.s32 s22, $0x0;
	_ =	strace $0x90000047  }
0x14d: {  	s0 =	sadd.s32 @!p0 $0x100000, s23;
	[bflag:$0x2] =	sbarrier.arrive $0xFFFF  }
0x14e: {  	[sflag:s0] =	ssyncadd.tile.s32 @!p0 $0x1;
	_ =	shalt  }
.LBB2_2:
.Ltmp3:
0x14f: {  	(pc) =	sbr.rel .LBB2_5-.Ltmp3, $2  }
0x150: {  	_ =	sdelay $0x2  }
0x151: {  	s22 =	stileid.u32;
	s23 =	rddreg [dreg:$0x2];
	s1 =	simm.s32 $0x19000  }
.Lfunc_end2:
_tile_overlayer_lowered:
.L_overlay_start_2:
0x152: {  	(tag) =	ssettag $0x2  }
0x153: {  	s0 =	rddreg [dreg:$0x0];
	s2 =	stileid.u32  }
0x154: {  	s1 =	rddreg [dreg:$0x1];
	p0 =	sne.s32 s2, $0x0  }
0x155: {  	s3 =	rddreg [dreg:$0x2];
	[bflag:$0x3] =	sbarrier.arrive $0xFFFF;
	s2 =	simm.s32 @!p0 $0x1C0A  }
0x156: {  	[timem:s3], [sflag:s2] =	dma.local @!p0 [hbm:s0], s1  }
0x157: {  	s0 =	simm.s32 @!p0 $0xA  }
0x158: {  	_ =	swait.ge @!p0 [sflag:s0], s1  }
0x159: {  	s1 =	ssub.s32 @!p0 $0x0, s1;
	[sflag:s0] =	ssyncset.done @!p0 $0x0  }
0x15a: {  	[sflag:s0] =	ssyncadd.s32 @!p0 s1  }
0x15b: {  	[bflag:$0x3] =	sbarrier.arrive $0xFFFF  }
0x15c: {  	_ =	shalt  }

</sc_bundles>
